<compile_context>
chip_gen: v7x
topology: tpu7x:2x2x1
jax: 0.10.2.dev20260603
libtpu: 0.0.44.dev20260713+nightly
codegen_flags: <defaults>
</compile_context>

<pallas_src>
import functools

import jax
import jax.numpy as jnp
from jax import lax
from jax.experimental import pallas as pl
from jax.experimental.pallas import tpu as pltpu
from jax.experimental.pallas import tpu_sc as plsc

N = 10000
E = 320000
F_IN = 128
H = 64
H2 = 32
C = 12
B = 64

NC = 2
NS = 16
NW = NC * NS
CK = 128
CPT = 80
EP = NW * CPT * CK
NP = 10240

_f32 = jnp.float32



def _sc_mesh():
    return plsc.VectorSubcoreMesh(core_axis_name="c", subcore_axis_name="s")


_SC_PARAMS = pltpu.CompilerParams(use_tc_tiling_on_sc=False)


def _make_deg_kernel():
    rpt = NP // NS

    @functools.partial(
        pl.kernel,
        out_type=jax.ShapeDtypeStruct((NC, NP, 16), _f32),
        mesh=_sc_mesh(),
        compiler_params=_SC_PARAMS,
        scratch_types=[
            pltpu.VMEM((CPT, CK), jnp.int32),
            pltpu.VMEM((CK, 16), _f32),
            pltpu.VMEM_SHARED((NP, 16), _f32),
        ],
    )
    def deg_kernel(dstp_hbm, zeros_hbm, ones_hbm, out_hbm, dst_v, ones_v, acc_sh):
        cid = lax.axis_index("c")
        sid = lax.axis_index("s")
        wid = sid * NC + cid
        pltpu.sync_copy(dstp_hbm.at[pl.ds(wid * CPT, CPT)], dst_v)
        pltpu.sync_copy(ones_hbm, ones_v)
        pltpu.sync_copy(zeros_hbm.at[pl.ds(sid * rpt, rpt)],
                        acc_sh.at[pl.ds(sid * rpt, rpt)])
        plsc.subcore_barrier()

        def body(j, carry):
            pltpu.sync_copy(ones_v, acc_sh.at[dst_v.at[j]], add=True)
            return carry

        lax.fori_loop(0, CPT, body, 0)
        plsc.subcore_barrier()
        pltpu.sync_copy(acc_sh.at[pl.ds(sid * rpt, rpt)],
                        out_hbm.at[cid, pl.ds(sid * rpt, rpt)])

    return deg_kernel


def _make_prop_kernel(hc):
    rpt = NP // NS

    @functools.partial(
        pl.kernel,
        out_type=jax.ShapeDtypeStruct((NC, NP, hc), _f32),
        mesh=_sc_mesh(),
        compiler_params=_SC_PARAMS,
        scratch_types=[
            pltpu.VMEM((CPT, CK), jnp.int32),
            pltpu.VMEM((CPT, CK), jnp.int32),
            pltpu.VMEM((2, CK, hc), _f32),
            pltpu.VMEM_SHARED((NP, hc), _f32),
            pltpu.VMEM_SHARED((NP, hc), _f32),
            pltpu.SemaphoreType.DMA,
        ],
    )
    def prop_kernel(g_hbm, srcp_hbm, dstp_hbm, zeros_hbm, out_hbm,
                    src_v, dst_v, rows_v, acc_sh, g_sh, sem):
        cid = lax.axis_index("c")
        sid = lax.axis_index("s")
        wid = sid * NC + cid
        pltpu.sync_copy(srcp_hbm.at[pl.ds(wid * CPT, CPT)], src_v)
        pltpu.sync_copy(dstp_hbm.at[pl.ds(wid * CPT, CPT)], dst_v)
        pltpu.sync_copy(g_hbm.at[pl.ds(sid * rpt, rpt)],
                        g_sh.at[pl.ds(sid * rpt, rpt)])
        pltpu.sync_copy(zeros_hbm.at[pl.ds(sid * rpt, rpt)],
                        acc_sh.at[pl.ds(sid * rpt, rpt)])
        plsc.subcore_barrier()

        pltpu.async_copy(g_sh.at[src_v.at[0]], rows_v.at[0], sem)

        def body(j, carry):
            for b in range(2):
                jj = j + b
                pltpu.make_async_copy(g_sh.at[src_v.at[jj]],
                                      rows_v.at[b], sem).wait()

                @pl.when(jj + 1 < CPT)
                def _():
                    pltpu.async_copy(g_sh.at[src_v.at[jj + 1]],
                                     rows_v.at[1 - b], sem)

                pltpu.sync_copy(rows_v.at[b], acc_sh.at[dst_v.at[jj]], add=True)
            return carry

        lax.fori_loop(0, CPT // 2, lambda j, c: body(2 * j, c), 0)
        plsc.subcore_barrier()
        pltpu.sync_copy(acc_sh.at[pl.ds(sid * rpt, rpt)],
                        out_hbm.at[cid, pl.ds(sid * rpt, rpt)])

    return prop_kernel



_RB = 512


def _dot(a, b):
    return jax.lax.dot_general(a, b, (((1,), (0,)), ((), ())),
                               preferred_element_type=_f32,
                               precision=jax.lax.Precision.HIGHEST)


def _tc_prelude(deg_parts, xpad, W1):
    grid = NP // _RB

    def body(deg_ref, x_ref, w_ref, g_ref, dinv_ref, dinvm_ref):
        i = pl.program_id(0)
        deg = deg_ref[0, :, :1] + deg_ref[1, :, :1] + 1.0
        dinv = lax.rsqrt(deg)
        ridx = lax.broadcasted_iota(jnp.int32, (_RB, 1), 0) + i * _RB
        dinvm = jnp.where(ridx < N, dinv, 0.0)
        g_ref[...] = _dot(x_ref[...], w_ref[...]) * dinvm
        dinv_ref[...] = jnp.broadcast_to(dinv, (_RB, 8))
        dinvm_ref[...] = jnp.broadcast_to(dinvm, (_RB, 8))

    return pl.pallas_call(
        body,
        grid=(grid,),
        in_specs=[
            pl.BlockSpec((NC, _RB, 16), lambda i: (0, i, 0)),
            pl.BlockSpec((_RB, F_IN), lambda i: (i, 0)),
            pl.BlockSpec((F_IN, H), lambda i: (0, 0)),
        ],
        out_specs=[
            pl.BlockSpec((_RB, H), lambda i: (i, 0)),
            pl.BlockSpec((_RB, 8), lambda i: (i, 0)),
            pl.BlockSpec((_RB, 8), lambda i: (i, 0)),
        ],
        out_shape=[
            jax.ShapeDtypeStruct((NP, H), _f32),
            jax.ShapeDtypeStruct((NP, 8), _f32),
            jax.ShapeDtypeStruct((NP, 8), _f32),
        ],
    )(deg_parts, xpad, W1)


def _tc_layer(parts, g_prev, dinv8, dinvm8, b_prev, W_next, h_in, h_out):
    grid = NP // _RB

    def body(p_ref, g_ref, dinv_ref, dinvm_ref, b_ref, w_ref, out_ref):
        comb = (p_ref[0] + p_ref[1] + g_ref[...]) * dinv_ref[:, :1] + b_ref[...]
        h = jnp.maximum(comb, 0.0)
        out_ref[...] = _dot(h, w_ref[...]) * dinvm_ref[:, :1]

    return pl.pallas_call(
        body,
        grid=(grid,),
        in_specs=[
            pl.BlockSpec((NC, _RB, h_in), lambda i: (0, i, 0)),
            pl.BlockSpec((_RB, h_in), lambda i: (i, 0)),
            pl.BlockSpec((_RB, 8), lambda i: (i, 0)),
            pl.BlockSpec((_RB, 8), lambda i: (i, 0)),
            pl.BlockSpec((1, h_in), lambda i: (0, 0)),
            pl.BlockSpec((h_in, h_out), lambda i: (0, 0)),
        ],
        out_specs=pl.BlockSpec((_RB, h_out), lambda i: (i, 0)),
        out_shape=jax.ShapeDtypeStruct((NP, h_out), _f32),
    )(parts, g_prev, dinv8, dinvm8, b_prev, W_next)


_RD = 1000


def _tc_head(parts, g_prev, dinv8, b_prev, batch2d, Wc1, bc1, Wc2, bc2):
    grid = N // _RD

    def body(p_ref, g_ref, dinv_ref, b_ref, bat_ref, wc1_ref, bc1_ref,
             wc2_ref, bc2_ref, out_ref, pooled, counts):
        i = pl.program_id(0)

        @pl.when(i == 0)
        def _():
            pooled[...] = jnp.zeros((B, H2), _f32)
            counts[...] = jnp.zeros((B, 8), _f32)

        comb = (p_ref[0] + p_ref[1] + g_ref[...]) * dinv_ref[:, :1] + b_ref[...]
        h = jnp.maximum(comb, 0.0)
        iota_b = lax.broadcasted_iota(jnp.int32, (1, B), 1)
        onehot = (bat_ref[...] == iota_b).astype(_f32)
        pooled[...] += jax.lax.dot_general(
            onehot, h, (((0,), (0,)), ((), ())),
            preferred_element_type=_f32,
            precision=jax.lax.Precision.HIGHEST)
        counts[...] += jax.lax.dot_general(
            onehot, jnp.ones((_RD, 8), _f32), (((0,), (0,)), ((), ())),
            preferred_element_type=_f32,
            precision=jax.lax.Precision.HIGHEST)

        @pl.when(i == grid - 1)
        def _():
            mean = pooled[...] / jnp.maximum(counts[:, :1], 1.0)
            z = jnp.maximum(_dot(mean, wc1_ref[...]) + bc1_ref[...], 0.0)
            logits = _dot(z, wc2_ref[...]) + bc2_ref[...]
            m = jnp.max(logits, axis=-1, keepdims=True)
            ex = jnp.exp(logits - m)
            out_ref[...] = (logits - m) - jnp.log(jnp.sum(ex, -1, keepdims=True))

    return pl.pallas_call(
        body,
        grid=(grid,),
        in_specs=[
            pl.BlockSpec((NC, _RD, H2), lambda i: (0, i, 0)),
            pl.BlockSpec((_RD, H2), lambda i: (i, 0)),
            pl.BlockSpec((_RD, 8), lambda i: (i, 0)),
            pl.BlockSpec((1, H2), lambda i: (0, 0)),
            pl.BlockSpec((_RD, 1), lambda i: (i, 0)),
            pl.BlockSpec((H2, 16), lambda i: (0, 0)),
            pl.BlockSpec((1, 16), lambda i: (0, 0)),
            pl.BlockSpec((16, C), lambda i: (0, 0)),
            pl.BlockSpec((1, C), lambda i: (0, 0)),
        ],
        out_specs=pl.BlockSpec((B, C), lambda i: (0, 0)),
        out_shape=jax.ShapeDtypeStruct((B, C), _f32),
        scratch_shapes=[
            pltpu.VMEM((B, H2), _f32),
            pltpu.VMEM((B, 8), _f32),
        ],
    )(parts, g_prev, dinv8, b_prev, batch2d, Wc1, bc1, Wc2, bc2)



_deg_kernel = _make_deg_kernel()
_prop64 = _make_prop_kernel(H)
_prop32 = _make_prop_kernel(H2)


def kernel(x, edge_index, batch, W1, b1, W2, b2, W3, b3, Wc1, bc1, Wc2, bc2):
    src = edge_index[0].astype(jnp.int32)
    dst = edge_index[1].astype(jnp.int32)
    padi = jnp.full((EP - E,), N, jnp.int32)
    srcp = jnp.concatenate([src, padi]).reshape(NW * CPT, CK)
    dstp = jnp.concatenate([dst, padi]).reshape(NW * CPT, CK)
    xpad = jnp.zeros((NP, F_IN), _f32).at[:N].set(x)
    zeros16 = jnp.zeros((NP, 16), _f32)
    ones16 = jnp.ones((CK, 16), _f32)
    zeros64 = jnp.zeros((NP, H), _f32)
    zeros32 = jnp.zeros((NP, H2), _f32)

    deg_parts = _deg_kernel(dstp, zeros16, ones16)
    g1, dinv8, dinvm8 = _tc_prelude(deg_parts, xpad, W1)
    p1 = _prop64(g1, srcp, dstp, zeros64)
    g2 = _tc_layer(p1, g1, dinv8, dinvm8, b1.reshape(1, H), W2, H, H)
    p2 = _prop64(g2, srcp, dstp, zeros64)
    g3 = _tc_layer(p2, g2, dinv8, dinvm8, b2.reshape(1, H), W3, H, H2)
    p3 = _prop32(g3, srcp, dstp, zeros32)
    return _tc_head(p3, g3, dinv8, b3.reshape(1, H2),
                    batch.reshape(N, 1).astype(jnp.int32),
                    Wc1, bc1.reshape(1, 16), Wc2, bc2.reshape(1, C))

# --- scband reference (transcript-rebuilt; emitter-appended) ---
"""Pipeline reference for scband-activity-recognition-gcn-26645977104905 (READ-ONLY COPY).

The authoritative reference and input builder live on the scoring server;
editing this copy changes nothing except your own understanding.
"""

import jax, jax.numpy as jnp
import numpy as np

N = 10000
E = 320000
F_IN = 128
H = 64
C = 12
B = 64


def setup_inputs(seed: int = 0):
    key = jax.random.key(seed)
    ks = jax.random.split(key, 16)
    x = jax.random.normal(ks[0], (N, F_IN), dtype=jnp.float32)
    edge_index = jax.random.randint(ks[1], (2, E), 0, N)
    batch = jnp.sort(jax.random.randint(ks[2], (N,), 0, B))
    W1 = jax.random.normal(ks[3], (F_IN, H), dtype=jnp.float32) * 0.05
    b1 = jnp.zeros((H,), jnp.float32)
    W2 = jax.random.normal(ks[4], (H, H), dtype=jnp.float32) * 0.05
    b2 = jnp.zeros((H,), jnp.float32)
    W3 = jax.random.normal(ks[5], (H, H // 2), dtype=jnp.float32) * 0.05
    b3 = jnp.zeros((H // 2,), jnp.float32)
    Wc1 = jax.random.normal(ks[6], (H // 2, H // 4), dtype=jnp.float32) * 0.05
    bc1 = jnp.zeros((H // 4,), jnp.float32)
    Wc2 = jax.random.normal(ks[7], (H // 4, C), dtype=jnp.float32) * 0.05
    bc2 = jnp.zeros((C,), jnp.float32)
    return {"x": x, "edge_index": edge_index, "batch": batch,
            "W1": W1, "b1": b1, "W2": W2, "b2": b2, "W3": W3, "b3": b3,
            "Wc1": Wc1, "bc1": bc1, "Wc2": Wc2, "bc2": bc2}


def gcn_conv(x, W, b, src, dst):
    # PyG GCNConv: add self-loops, symmetric normalization D^-1/2 (A+I) D^-1/2 X W + b
    h = x @ W
    loop = jnp.arange(N)
    s = jnp.concatenate([src, loop])
    d = jnp.concatenate([dst, loop])
    deg = jnp.zeros((N,), jnp.float32).at[d].add(1.0)
    dinv = jax.lax.rsqrt(deg)
    norm = dinv[s] * dinv[d]
    out = jnp.zeros((N, h.shape[1]), jnp.float32).at[d].add(h[s] * norm[:, None])
    return out + b


def reference(x, edge_index, batch, W1, b1, W2, b2, W3, b3, Wc1, bc1, Wc2, bc2):
    src = edge_index[0]
    dst = edge_index[1]
    h = jax.nn.relu(gcn_conv(x, W1, b1, src, dst))
    h = jax.nn.relu(gcn_conv(h, W2, b2, src, dst))
    h = jax.nn.relu(gcn_conv(h, W3, b3, src, dst))
    sums = jax.ops.segment_sum(h, batch, num_segments=B)
    cnt = jax.ops.segment_sum(jnp.ones((N,), jnp.float32), batch, num_segments=B)
    pooled = sums / jnp.maximum(cnt, 1.0)[:, None]
    z = jax.nn.relu(pooled @ Wc1 + bc1)
    logits = z @ Wc2 + bc2
    return jax.nn.log_softmax(logits, axis=-1)

if __name__ == "__main__":
    import jax
    _d = setup_inputs()
    print(jax.jit(kernel)(*tuple(_d.values())))

</pallas_src>

<mosaic_0001>
#map = affine_map<(d0, d1) -> (0, 0)>
#map1 = affine_map<(d0, d1) -> (0, 0, 0)>
module attributes {stable_mosaic.version = 14 : i64} {
  func.func @deg_kernel(%arg0: i32, %arg1: i32, %arg2: memref<2560x128xi32, #tpu.memory_space<hbm>>, %arg3: memref<10240x16xf32, #tpu.memory_space<hbm>>, %arg4: memref<128x16xf32, #tpu.memory_space<hbm>>, %arg5: memref<2x10240x16xf32, #tpu.memory_space<hbm>>, %arg6: memref<80x128xi32, #tpu.memory_space<vmem>>, %arg7: memref<128x16xf32, #tpu.memory_space<vmem>>, %arg8: memref<10240x16xf32, #tpu.memory_space<vmem_shared>>) attributes {dimension_semantics = [#tpu.dimension_semantics<core_parallel>, #tpu.dimension_semantics<subcore_parallel>], iteration_bounds = array<i64: 2, 16>, scalar_prefetch = 0 : i64, scratch_operands = 3 : i64, tpu.core_type = #tpu.core_type<sc_vector_subcore>, window_params = [{transform_indices = #map}, {transform_indices = #map}, {transform_indices = #map}, {transform_indices = #map1}]} {
    %mul3A = arith.constant 2 : i32
    %mul3A_0 = arith.muli %arg1, %mul3A : i32
    %add3A = arith.addi %mul3A_0, %arg0 : i32
    %mul3A_1 = arith.constant 80 : i32
    %mul3A_2 = arith.muli %add3A, %mul3A_1 : i32
    "tpu.region"() ({
      %run_scoped3A = tpu.sem_alloc : memref<!tpu.dma_semaphore, #tpu.memory_space<semaphore_mem>>
      %dma_start3A = arith.constant 0 : i32
      %dma_start3A_17 = tpu.memref_slice %arg2[%mul3A_2, %dma_start3A] : memref<2560x128xi32, #tpu.memory_space<hbm>> -> memref<80x128xi32, #tpu.memory_space<hbm>>
      %dma_start3A_18 = arith.constant 0 : i32
      %dma_start3A_19 = tpu.memref_slice %arg2[%mul3A_2, %dma_start3A_18] : memref<2560x128xi32, #tpu.memory_space<hbm>> -> memref<80x128xi32, #tpu.memory_space<hbm>>
      tpu.enqueue_dma source(%dma_start3A_19 : memref<80x128xi32, #tpu.memory_space<hbm>>) target(%arg6 : memref<80x128xi32, #tpu.memory_space<vmem>>) target_semaphore(%run_scoped3A : memref<!tpu.dma_semaphore, #tpu.memory_space<semaphore_mem>>)
      %dma_wait3A = arith.constant 0 : i32
      %dma_wait3A_20 = tpu.memref_slice %arg2[%mul3A_2, %dma_wait3A] : memref<2560x128xi32, #tpu.memory_space<hbm>> -> memref<80x128xi32, #tpu.memory_space<hbm>>
      %dma_wait3A_21 = arith.constant 0 : i32
      %dma_wait3A_22 = tpu.memref_slice %arg2[%mul3A_2, %dma_wait3A_21] : memref<2560x128xi32, #tpu.memory_space<hbm>> -> memref<80x128xi32, #tpu.memory_space<hbm>>
      tpu.wait_dma2 semaphore(%run_scoped3A : memref<!tpu.dma_semaphore, #tpu.memory_space<semaphore_mem>>) src(%dma_wait3A_22 : memref<80x128xi32, #tpu.memory_space<hbm>>) dst(%arg6 : memref<80x128xi32, #tpu.memory_space<vmem>>)
      tpu.yield
    }) : () -> ()
    "tpu.region"() ({
      %run_scoped3A = tpu.sem_alloc : memref<!tpu.dma_semaphore, #tpu.memory_space<semaphore_mem>>
      tpu.enqueue_dma source(%arg4 : memref<128x16xf32, #tpu.memory_space<hbm>>) target(%arg7 : memref<128x16xf32, #tpu.memory_space<vmem>>) target_semaphore(%run_scoped3A : memref<!tpu.dma_semaphore, #tpu.memory_space<semaphore_mem>>)
      tpu.wait_dma2 semaphore(%run_scoped3A : memref<!tpu.dma_semaphore, #tpu.memory_space<semaphore_mem>>) src(%arg4 : memref<128x16xf32, #tpu.memory_space<hbm>>) dst(%arg7 : memref<128x16xf32, #tpu.memory_space<vmem>>)
      tpu.yield
    }) : () -> ()
    %mul3A_3 = arith.constant 640 : i32
    %mul3A_4 = arith.muli %arg1, %mul3A_3 : i32
    %mul3A_5 = arith.constant 640 : i32
    %mul3A_6 = arith.muli %arg1, %mul3A_5 : i32
    "tpu.region"() ({
      %run_scoped3A = tpu.sem_alloc : memref<!tpu.dma_semaphore, #tpu.memory_space<semaphore_mem>>
      %dma_start3A = arith.constant 0 : i32
      %dma_start3A_17 = tpu.memref_slice %arg8[%mul3A_6, %dma_start3A] : memref<10240x16xf32, #tpu.memory_space<vmem_shared>> -> memref<640x16xf32, #tpu.memory_space<vmem_shared>>
      %dma_start3A_18 = arith.constant 0 : i32
      %dma_start3A_19 = tpu.memref_slice %arg3[%mul3A_4, %dma_start3A_18] : memref<10240x16xf32, #tpu.memory_space<hbm>> -> memref<640x16xf32, #tpu.memory_space<hbm>>
      tpu.enqueue_dma source(%dma_start3A_19 : memref<640x16xf32, #tpu.memory_space<hbm>>) target(%dma_start3A_17 : memref<640x16xf32, #tpu.memory_space<vmem_shared>>) target_semaphore(%run_scoped3A : memref<!tpu.dma_semaphore, #tpu.memory_space<semaphore_mem>>)
      %dma_wait3A = arith.constant 0 : i32
      %dma_wait3A_20 = tpu.memref_slice %arg8[%mul3A_6, %dma_wait3A] : memref<10240x16xf32, #tpu.memory_space<vmem_shared>> -> memref<640x16xf32, #tpu.memory_space<vmem_shared>>
      %dma_wait3A_21 = arith.constant 0 : i32
      %dma_wait3A_22 = tpu.memref_slice %arg3[%mul3A_4, %dma_wait3A_21] : memref<10240x16xf32, #tpu.memory_space<hbm>> -> memref<640x16xf32, #tpu.memory_space<hbm>>
      tpu.wait_dma2 semaphore(%run_scoped3A : memref<!tpu.dma_semaphore, #tpu.memory_space<semaphore_mem>>) src(%dma_wait3A_22 : memref<640x16xf32, #tpu.memory_space<hbm>>) dst(%dma_wait3A_20 : memref<640x16xf32, #tpu.memory_space<vmem_shared>>)
      tpu.yield
    }) : () -> ()
    %barrier3A = arith.constant 0 : index
    tpu.barrier barrier_id(%barrier3A)
    %scan3A = arith.constant 0 : i32
    %scan3A_7 = arith.constant 0 : i32
    %scan3A_8 = arith.constant 80 : i32
    %scan3A_9 = arith.addi %scan3A_7, %scan3A_8 : i32
    %scan3A_10 = arith.constant 1 : i32
    scf.for %scan3A_17 = %scan3A_7 to %scan3A_9 step %scan3A_10  : i32 {
      "tpu.region"() ({
        %run_scoped3A = tpu.sem_alloc : memref<!tpu.dma_semaphore, #tpu.memory_space<semaphore_mem>>
        %dma_start3A = arith.constant 0 : i32
        %dma_start3A_18 = tpu.memref_slice %arg6[%scan3A_17, %dma_start3A] : memref<80x128xi32, #tpu.memory_space<vmem>> -> memref<1x128xi32, #tpu.memory_space<vmem>>
        %dma_start3A_19 = tpu.memref_squeeze %dma_start3A_18 : memref<1x128xi32, #tpu.memory_space<vmem>> -> memref<128xi32, #tpu.memory_space<vmem>>
        %dma_start3A_20 = arith.constant 0 : i32
        %dma_start3A_21 = arith.constant 0 : i32
        %dma_start3A_22 = tpu.memref_slice %arg8[%dma_start3A_20, %dma_start3A_21] : memref<10240x16xf32, #tpu.memory_space<vmem_shared>> -> memref<10240x16xf32, #tpu.memory_space<vmem_shared>>
        tpu.enqueue_indirect_dma source(%arg7 : memref<128x16xf32, #tpu.memory_space<vmem>>) target(%dma_start3A_22 : memref<10240x16xf32, #tpu.memory_space<vmem_shared>>) offsets(%dma_start3A_19 : memref<128xi32, #tpu.memory_space<vmem>>) semaphore(%run_scoped3A : memref<!tpu.dma_semaphore, #tpu.memory_space<semaphore_mem>>) {add = true}
        %dma_wait3A = arith.constant 0 : i32
        %dma_wait3A_23 = tpu.memref_slice %arg6[%scan3A_17, %dma_wait3A] : memref<80x128xi32, #tpu.memory_space<vmem>> -> memref<1x128xi32, #tpu.memory_space<vmem>>
        %dma_wait3A_24 = tpu.memref_squeeze %dma_wait3A_23 : memref<1x128xi32, #tpu.memory_space<vmem>> -> memref<128xi32, #tpu.memory_space<vmem>>
        %dma_wait3A_25 = arith.constant 0 : i32
        %dma_wait3A_26 = arith.constant 0 : i32
        %dma_wait3A_27 = tpu.memref_slice %arg8[%dma_wait3A_25, %dma_wait3A_26] : memref<10240x16xf32, #tpu.memory_space<vmem_shared>> -> memref<10240x16xf32, #tpu.memory_space<vmem_shared>>
        tpu.wait_indirect_dma semaphore(%run_scoped3A : memref<!tpu.dma_semaphore, #tpu.memory_space<semaphore_mem>>) src(%arg7 : memref<128x16xf32, #tpu.memory_space<vmem>>) dst(%dma_wait3A_27 : memref<10240x16xf32, #tpu.memory_space<vmem_shared>>)
        tpu.yield
      }) : () -> ()
    }
    %scan3A_11 = arith.constant 80 : i32
    %barrier3A_12 = arith.constant 0 : index
    tpu.barrier barrier_id(%barrier3A_12)
    %mul3A_13 = arith.constant 640 : i32
    %mul3A_14 = arith.muli %arg1, %mul3A_13 : i32
    %mul3A_15 = arith.constant 640 : i32
    %mul3A_16 = arith.muli %arg1, %mul3A_15 : i32
    "tpu.region"() ({
      %run_scoped3A = tpu.sem_alloc : memref<!tpu.dma_semaphore, #tpu.memory_space<semaphore_mem>>
      %dma_start3A = arith.constant 0 : i32
      %dma_start3A_17 = tpu.memref_slice %arg5[%arg0, %mul3A_16, %dma_start3A] : memref<2x10240x16xf32, #tpu.memory_space<hbm>> -> memref<1x640x16xf32, #tpu.memory_space<hbm>>
      %dma_start3A_18 = tpu.memref_squeeze %dma_start3A_17 : memref<1x640x16xf32, #tpu.memory_space<hbm>> -> memref<640x16xf32, #tpu.memory_space<hbm>>
      %dma_start3A_19 = arith.constant 0 : i32
      %dma_start3A_20 = tpu.memref_slice %arg8[%mul3A_14, %dma_start3A_19] : memref<10240x16xf32, #tpu.memory_space<vmem_shared>> -> memref<640x16xf32, #tpu.memory_space<vmem_shared>>
      tpu.enqueue_dma source(%dma_start3A_20 : memref<640x16xf32, #tpu.memory_space<vmem_shared>>) target(%dma_start3A_18 : memref<640x16xf32, #tpu.memory_space<hbm>>) target_semaphore(%run_scoped3A : memref<!tpu.dma_semaphore, #tpu.memory_space<semaphore_mem>>)
      %dma_wait3A = arith.constant 0 : i32
      %dma_wait3A_21 = tpu.memref_slice %arg5[%arg0, %mul3A_16, %dma_wait3A] : memref<2x10240x16xf32, #tpu.memory_space<hbm>> -> memref<1x640x16xf32, #tpu.memory_space<hbm>>
      %dma_wait3A_22 = tpu.memref_squeeze %dma_wait3A_21 : memref<1x640x16xf32, #tpu.memory_space<hbm>> -> memref<640x16xf32, #tpu.memory_space<hbm>>
      %dma_wait3A_23 = arith.constant 0 : i32
      %dma_wait3A_24 = tpu.memref_slice %arg8[%mul3A_14, %dma_wait3A_23] : memref<10240x16xf32, #tpu.memory_space<vmem_shared>> -> memref<640x16xf32, #tpu.memory_space<vmem_shared>>
      tpu.wait_dma2 semaphore(%run_scoped3A : memref<!tpu.dma_semaphore, #tpu.memory_space<semaphore_mem>>) src(%dma_wait3A_24 : memref<640x16xf32, #tpu.memory_space<vmem_shared>>) dst(%dma_wait3A_22 : memref<640x16xf32, #tpu.memory_space<hbm>>)
      tpu.yield
    }) : () -> ()
    return
  }
}

#map = affine_map<(d0, d1) -> (0, 0)>
#map1 = affine_map<(d0, d1) -> (0, 0, 0)>
module attributes {stable_mosaic.version = 14 : i64} {
  func.func @prop_kernel(%arg0: i32, %arg1: i32, %arg2: memref<10240x64xf32, #tpu.memory_space<hbm>>, %arg3: memref<2560x128xi32, #tpu.memory_space<hbm>>, %arg4: memref<2560x128xi32, #tpu.memory_space<hbm>>, %arg5: memref<10240x64xf32, #tpu.memory_space<hbm>>, %arg6: memref<2x10240x64xf32, #tpu.memory_space<hbm>>, %arg7: memref<80x128xi32, #tpu.memory_space<vmem>>, %arg8: memref<80x128xi32, #tpu.memory_space<vmem>>, %arg9: memref<2x128x64xf32, #tpu.memory_space<vmem>>, %arg10: memref<10240x64xf32, #tpu.memory_space<vmem_shared>>, %arg11: memref<10240x64xf32, #tpu.memory_space<vmem_shared>>, %arg12: memref<!tpu.dma_semaphore, #tpu.memory_space<semaphore_mem>>) attributes {dimension_semantics = [#tpu.dimension_semantics<core_parallel>, #tpu.dimension_semantics<subcore_parallel>], iteration_bounds = array<i64: 2, 16>, scalar_prefetch = 0 : i64, scratch_operands = 6 : i64, tpu.core_type = #tpu.core_type<sc_vector_subcore>, window_params = [{transform_indices = #map}, {transform_indices = #map}, {transform_indices = #map}, {transform_indices = #map}, {transform_indices = #map1}]} {
    %mul3A = arith.constant 2 : i32
    %mul3A_0 = arith.muli %arg1, %mul3A : i32
    %add3A = arith.addi %mul3A_0, %arg0 : i32
    %mul3A_1 = arith.constant 80 : i32
    %mul3A_2 = arith.muli %add3A, %mul3A_1 : i32
    "tpu.region"() ({
      %run_scoped3A = tpu.sem_alloc : memref<!tpu.dma_semaphore, #tpu.memory_space<semaphore_mem>>
      %dma_start3A_34 = arith.constant 0 : i32
      %dma_start3A_35 = tpu.memref_slice %arg3[%mul3A_2, %dma_start3A_34] : memref<2560x128xi32, #tpu.memory_space<hbm>> -> memref<80x128xi32, #tpu.memory_space<hbm>>
      %dma_start3A_36 = arith.constant 0 : i32
      %dma_start3A_37 = tpu.memref_slice %arg3[%mul3A_2, %dma_start3A_36] : memref<2560x128xi32, #tpu.memory_space<hbm>> -> memref<80x128xi32, #tpu.memory_space<hbm>>
      tpu.enqueue_dma source(%dma_start3A_37 : memref<80x128xi32, #tpu.memory_space<hbm>>) target(%arg7 : memref<80x128xi32, #tpu.memory_space<vmem>>) target_semaphore(%run_scoped3A : memref<!tpu.dma_semaphore, #tpu.memory_space<semaphore_mem>>)
      %dma_wait3A = arith.constant 0 : i32
      %dma_wait3A_38 = tpu.memref_slice %arg3[%mul3A_2, %dma_wait3A] : memref<2560x128xi32, #tpu.memory_space<hbm>> -> memref<80x128xi32, #tpu.memory_space<hbm>>
      %dma_wait3A_39 = arith.constant 0 : i32
      %dma_wait3A_40 = tpu.memref_slice %arg3[%mul3A_2, %dma_wait3A_39] : memref<2560x128xi32, #tpu.memory_space<hbm>> -> memref<80x128xi32, #tpu.memory_space<hbm>>
      tpu.wait_dma2 semaphore(%run_scoped3A : memref<!tpu.dma_semaphore, #tpu.memory_space<semaphore_mem>>) src(%dma_wait3A_40 : memref<80x128xi32, #tpu.memory_space<hbm>>) dst(%arg7 : memref<80x128xi32, #tpu.memory_space<vmem>>)
      tpu.yield
    }) : () -> ()
    %mul3A_3 = arith.constant 80 : i32
    %mul3A_4 = arith.muli %add3A, %mul3A_3 : i32
    "tpu.region"() ({
      %run_scoped3A = tpu.sem_alloc : memref<!tpu.dma_semaphore, #tpu.memory_space<semaphore_mem>>
      %dma_start3A_34 = arith.constant 0 : i32
      %dma_start3A_35 = tpu.memref_slice %arg4[%mul3A_4, %dma_start3A_34] : memref<2560x128xi32, #tpu.memory_space<hbm>> -> memref<80x128xi32, #tpu.memory_space<hbm>>
      %dma_start3A_36 = arith.constant 0 : i32
      %dma_start3A_37 = tpu.memref_slice %arg4[%mul3A_4, %dma_start3A_36] : memref<2560x128xi32, #tpu.memory_space<hbm>> -> memref<80x128xi32, #tpu.memory_space<hbm>>
      tpu.enqueue_dma source(%dma_start3A_37 : memref<80x128xi32, #tpu.memory_space<hbm>>) target(%arg8 : memref<80x128xi32, #tpu.memory_space<vmem>>) target_semaphore(%run_scoped3A : memref<!tpu.dma_semaphore, #tpu.memory_space<semaphore_mem>>)
      %dma_wait3A = arith.constant 0 : i32
      %dma_wait3A_38 = tpu.memref_slice %arg4[%mul3A_4, %dma_wait3A] : memref<2560x128xi32, #tpu.memory_space<hbm>> -> memref<80x128xi32, #tpu.memory_space<hbm>>
      %dma_wait3A_39 = arith.constant 0 : i32
      %dma_wait3A_40 = tpu.memref_slice %arg4[%mul3A_4, %dma_wait3A_39] : memref<2560x128xi32, #tpu.memory_space<hbm>> -> memref<80x128xi32, #tpu.memory_space<hbm>>
      tpu.wait_dma2 semaphore(%run_scoped3A : memref<!tpu.dma_semaphore, #tpu.memory_space<semaphore_mem>>) src(%dma_wait3A_40 : memref<80x128xi32, #tpu.memory_space<hbm>>) dst(%arg8 : memref<80x128xi32, #tpu.memory_space<vmem>>)
      tpu.yield
    }) : () -> ()
    %mul3A_5 = arith.constant 640 : i32
    %mul3A_6 = arith.muli %arg1, %mul3A_5 : i32
    %mul3A_7 = arith.constant 640 : i32
    %mul3A_8 = arith.muli %arg1, %mul3A_7 : i32
    "tpu.region"() ({
      %run_scoped3A = tpu.sem_alloc : memref<!tpu.dma_semaphore, #tpu.memory_space<semaphore_mem>>
      %dma_start3A_34 = arith.constant 0 : i32
      %dma_start3A_35 = tpu.memref_slice %arg11[%mul3A_8, %dma_start3A_34] : memref<10240x64xf32, #tpu.memory_space<vmem_shared>> -> memref<640x64xf32, #tpu.memory_space<vmem_shared>>
      %dma_start3A_36 = arith.constant 0 : i32
      %dma_start3A_37 = tpu.memref_slice %arg2[%mul3A_6, %dma_start3A_36] : memref<10240x64xf32, #tpu.memory_space<hbm>> -> memref<640x64xf32, #tpu.memory_space<hbm>>
      tpu.enqueue_dma source(%dma_start3A_37 : memref<640x64xf32, #tpu.memory_space<hbm>>) target(%dma_start3A_35 : memref<640x64xf32, #tpu.memory_space<vmem_shared>>) target_semaphore(%run_scoped3A : memref<!tpu.dma_semaphore, #tpu.memory_space<semaphore_mem>>)
      %dma_wait3A = arith.constant 0 : i32
      %dma_wait3A_38 = tpu.memref_slice %arg11[%mul3A_8, %dma_wait3A] : memref<10240x64xf32, #tpu.memory_space<vmem_shared>> -> memref<640x64xf32, #tpu.memory_space<vmem_shared>>
      %dma_wait3A_39 = arith.constant 0 : i32
      %dma_wait3A_40 = tpu.memref_slice %arg2[%mul3A_6, %dma_wait3A_39] : memref<10240x64xf32, #tpu.memory_space<hbm>> -> memref<640x64xf32, #tpu.memory_space<hbm>>
      tpu.wait_dma2 semaphore(%run_scoped3A : memref<!tpu.dma_semaphore, #tpu.memory_space<semaphore_mem>>) src(%dma_wait3A_40 : memref<640x64xf32, #tpu.memory_space<hbm>>) dst(%dma_wait3A_38 : memref<640x64xf32, #tpu.memory_space<vmem_shared>>)
      tpu.yield
    }) : () -> ()
    %mul3A_9 = arith.constant 640 : i32
    %mul3A_10 = arith.muli %arg1, %mul3A_9 : i32
    %mul3A_11 = arith.constant 640 : i32
    %mul3A_12 = arith.muli %arg1, %mul3A_11 : i32
    "tpu.region"() ({
      %run_scoped3A = tpu.sem_alloc : memref<!tpu.dma_semaphore, #tpu.memory_space<semaphore_mem>>
      %dma_start3A_34 = arith.constant 0 : i32
      %dma_start3A_35 = tpu.memref_slice %arg10[%mul3A_12, %dma_start3A_34] : memref<10240x64xf32, #tpu.memory_space<vmem_shared>> -> memref<640x64xf32, #tpu.memory_space<vmem_shared>>
      %dma_start3A_36 = arith.constant 0 : i32
      %dma_start3A_37 = tpu.memref_slice %arg5[%mul3A_10, %dma_start3A_36] : memref<10240x64xf32, #tpu.memory_space<hbm>> -> memref<640x64xf32, #tpu.memory_space<hbm>>
      tpu.enqueue_dma source(%dma_start3A_37 : memref<640x64xf32, #tpu.memory_space<hbm>>) target(%dma_start3A_35 : memref<640x64xf32, #tpu.memory_space<vmem_shared>>) target_semaphore(%run_scoped3A : memref<!tpu.dma_semaphore, #tpu.memory_space<semaphore_mem>>)
      %dma_wait3A = arith.constant 0 : i32
      %dma_wait3A_38 = tpu.memref_slice %arg10[%mul3A_12, %dma_wait3A] : memref<10240x64xf32, #tpu.memory_space<vmem_shared>> -> memref<640x64xf32, #tpu.memory_space<vmem_shared>>
      %dma_wait3A_39 = arith.constant 0 : i32
      %dma_wait3A_40 = tpu.memref_slice %arg5[%mul3A_10, %dma_wait3A_39] : memref<10240x64xf32, #tpu.memory_space<hbm>> -> memref<640x64xf32, #tpu.memory_space<hbm>>
      tpu.wait_dma2 semaphore(%run_scoped3A : memref<!tpu.dma_semaphore, #tpu.memory_space<semaphore_mem>>) src(%dma_wait3A_40 : memref<640x64xf32, #tpu.memory_space<hbm>>) dst(%dma_wait3A_38 : memref<640x64xf32, #tpu.memory_space<vmem_shared>>)
      tpu.yield
    }) : () -> ()
    %barrier3A = arith.constant 0 : index
    tpu.barrier barrier_id(%barrier3A)
    %dma_start3A = arith.constant 0 : i32
    %dma_start3A_13 = arith.constant 0 : i32
    %dma_start3A_14 = arith.constant 0 : i32
    %dma_start3A_15 = arith.constant 0 : i32
    %dma_start3A_16 = tpu.memref_slice %arg9[%dma_start3A_13, %dma_start3A_14, %dma_start3A_15] : memref<2x128x64xf32, #tpu.memory_space<vmem>> -> memref<1x128x64xf32, #tpu.memory_space<vmem>>
    %dma_start3A_17 = tpu.memref_squeeze %dma_start3A_16 : memref<1x128x64xf32, #tpu.memory_space<vmem>> -> memref<128x64xf32, #tpu.memory_space<vmem>>
    %dma_start3A_18 = arith.constant 0 : i32
    %dma_start3A_19 = tpu.memref_slice %arg7[%dma_start3A, %dma_start3A_18] : memref<80x128xi32, #tpu.memory_space<vmem>> -> memref<1x128xi32, #tpu.memory_space<vmem>>
    %dma_start3A_20 = tpu.memref_squeeze %dma_start3A_19 : memref<1x128xi32, #tpu.memory_space<vmem>> -> memref<128xi32, #tpu.memory_space<vmem>>
    %dma_start3A_21 = arith.constant 0 : i32
    %dma_start3A_22 = arith.constant 0 : i32
    %dma_start3A_23 = tpu.memref_slice %arg11[%dma_start3A_21, %dma_start3A_22] : memref<10240x64xf32, #tpu.memory_space<vmem_shared>> -> memref<10240x64xf32, #tpu.memory_space<vmem_shared>>
    tpu.enqueue_indirect_dma source(%dma_start3A_23 : memref<10240x64xf32, #tpu.memory_space<vmem_shared>>) target(%dma_start3A_17 : memref<128x64xf32, #tpu.memory_space<vmem>>) offsets(%dma_start3A_20 : memref<128xi32, #tpu.memory_space<vmem>>) semaphore(%arg12 : memref<!tpu.dma_semaphore, #tpu.memory_space<semaphore_mem>>)
    %scan3A = arith.constant 0 : i32
    %scan3A_24 = arith.constant 0 : i32
    %scan3A_25 = arith.constant 40 : i32
    %scan3A_26 = arith.addi %scan3A_24, %scan3A_25 : i32
    %scan3A_27 = arith.constant 1 : i32
    scf.for %scan3A_34 = %scan3A_24 to %scan3A_26 step %scan3A_27  : i32 {
      %mul3A_35 = arith.constant 2 : i32
      %mul3A_36 = arith.muli %mul3A_35, %scan3A_34 : i32
      %add3A_37 = arith.constant 0 : i32
      %add3A_38 = arith.addi %mul3A_36, %add3A_37 : i32
      %dma_wait3A = arith.constant 0 : i32
      %dma_wait3A_39 = arith.constant 0 : i32
      %dma_wait3A_40 = arith.constant 0 : i32
      %dma_wait3A_41 = tpu.memref_slice %arg9[%dma_wait3A, %dma_wait3A_39, %dma_wait3A_40] : memref<2x128x64xf32, #tpu.memory_space<vmem>> -> memref<1x128x64xf32, #tpu.memory_space<vmem>>
      %dma_wait3A_42 = tpu.memref_squeeze %dma_wait3A_41 : memref<1x128x64xf32, #tpu.memory_space<vmem>> -> memref<128x64xf32, #tpu.memory_space<vmem>>
      %dma_wait3A_43 = arith.constant 0 : i32
      %dma_wait3A_44 = tpu.memref_slice %arg7[%add3A_38, %dma_wait3A_43] : memref<80x128xi32, #tpu.memory_space<vmem>> -> memref<1x128xi32, #tpu.memory_space<vmem>>
      %dma_wait3A_45 = tpu.memref_squeeze %dma_wait3A_44 : memref<1x128xi32, #tpu.memory_space<vmem>> -> memref<128xi32, #tpu.memory_space<vmem>>
      %dma_wait3A_46 = arith.constant 0 : i32
      %dma_wait3A_47 = arith.constant 0 : i32
      %dma_wait3A_48 = tpu.memref_slice %arg11[%dma_wait3A_46, %dma_wait3A_47] : memref<10240x64xf32, #tpu.memory_space<vmem_shared>> -> memref<10240x64xf32, #tpu.memory_space<vmem_shared>>
      tpu.wait_indirect_dma semaphore(%arg12 : memref<!tpu.dma_semaphore, #tpu.memory_space<semaphore_mem>>) src(%dma_wait3A_48 : memref<10240x64xf32, #tpu.memory_space<vmem_shared>>) dst(%dma_wait3A_42 : memref<128x64xf32, #tpu.memory_space<vmem>>)
      %add3A_49 = arith.constant 1 : i32
      %add3A_50 = arith.addi %add3A_38, %add3A_49 : i32
      %lt3A = arith.constant 80 : i32
      %lt3A_51 = arith.cmpi slt, %add3A_50, %lt3A : i32
      %convert_element_type3A = arith.extui %lt3A_51 : i1 to i32
      %cond3A = arith.constant 0 : i32
      %cond3A_52 = arith.cmpi ne, %convert_element_type3A, %cond3A : i32
      scf.if %cond3A_52 {
        %add3A_74 = arith.constant 1 : i32
        %add3A_75 = arith.addi %add3A_38, %add3A_74 : i32
        %dma_start3A_76 = arith.constant 1 : i32
        %dma_start3A_77 = arith.constant 0 : i32
        %dma_start3A_78 = arith.constant 0 : i32
        %dma_start3A_79 = tpu.memref_slice %arg9[%dma_start3A_76, %dma_start3A_77, %dma_start3A_78] : memref<2x128x64xf32, #tpu.memory_space<vmem>> -> memref<1x128x64xf32, #tpu.memory_space<vmem>>
        %dma_start3A_80 = tpu.memref_squeeze %dma_start3A_79 : memref<1x128x64xf32, #tpu.memory_space<vmem>> -> memref<128x64xf32, #tpu.memory_space<vmem>>
        %dma_start3A_81 = arith.constant 0 : i32
        %dma_start3A_82 = tpu.memref_slice %arg7[%add3A_75, %dma_start3A_81] : memref<80x128xi32, #tpu.memory_space<vmem>> -> memref<1x128xi32, #tpu.memory_space<vmem>>
        %dma_start3A_83 = tpu.memref_squeeze %dma_start3A_82 : memref<1x128xi32, #tpu.memory_space<vmem>> -> memref<128xi32, #tpu.memory_space<vmem>>
        %dma_start3A_84 = arith.constant 0 : i32
        %dma_start3A_85 = arith.constant 0 : i32
        %dma_start3A_86 = tpu.memref_slice %arg11[%dma_start3A_84, %dma_start3A_85] : memref<10240x64xf32, #tpu.memory_space<vmem_shared>> -> memref<10240x64xf32, #tpu.memory_space<vmem_shared>>
        tpu.enqueue_indirect_dma source(%dma_start3A_86 : memref<10240x64xf32, #tpu.memory_space<vmem_shared>>) target(%dma_start3A_80 : memref<128x64xf32, #tpu.memory_space<vmem>>) offsets(%dma_start3A_83 : memref<128xi32, #tpu.memory_space<vmem>>) semaphore(%arg12 : memref<!tpu.dma_semaphore, #tpu.memory_space<semaphore_mem>>)
      } else {
      }
      %run_scoped3A = arith.constant 0 : i32
      "tpu.region"() ({
        %run_scoped3A_74 = tpu.sem_alloc : memref<!tpu.dma_semaphore, #tpu.memory_space<semaphore_mem>>
        %dma_start3A_75 = arith.constant 0 : i32
        %dma_start3A_76 = arith.constant 0 : i32
        %dma_start3A_77 = tpu.memref_slice %arg9[%run_scoped3A, %dma_start3A_75, %dma_start3A_76] : memref<2x128x64xf32, #tpu.memory_space<vmem>> -> memref<1x128x64xf32, #tpu.memory_space<vmem>>
        %dma_start3A_78 = tpu.memref_squeeze %dma_start3A_77 : memref<1x128x64xf32, #tpu.memory_space<vmem>> -> memref<128x64xf32, #tpu.memory_space<vmem>>
        %dma_start3A_79 = arith.constant 0 : i32
        %dma_start3A_80 = tpu.memref_slice %arg8[%add3A_38, %dma_start3A_79] : memref<80x128xi32, #tpu.memory_space<vmem>> -> memref<1x128xi32, #tpu.memory_space<vmem>>
        %dma_start3A_81 = tpu.memref_squeeze %dma_start3A_80 : memref<1x128xi32, #tpu.memory_space<vmem>> -> memref<128xi32, #tpu.memory_space<vmem>>
        %dma_start3A_82 = arith.constant 0 : i32
        %dma_start3A_83 = arith.constant 0 : i32
        %dma_start3A_84 = tpu.memref_slice %arg10[%dma_start3A_82, %dma_start3A_83] : memref<10240x64xf32, #tpu.memory_space<vmem_shared>> -> memref<10240x64xf32, #tpu.memory_space<vmem_shared>>
        tpu.enqueue_indirect_dma source(%dma_start3A_78 : memref<128x64xf32, #tpu.memory_space<vmem>>) target(%dma_start3A_84 : memref<10240x64xf32, #tpu.memory_space<vmem_shared>>) offsets(%dma_start3A_81 : memref<128xi32, #tpu.memory_space<vmem>>) semaphore(%run_scoped3A_74 : memref<!tpu.dma_semaphore, #tpu.memory_space<semaphore_mem>>) {add = true}
        %dma_wait3A_85 = arith.constant 0 : i32
        %dma_wait3A_86 = arith.constant 0 : i32
        %dma_wait3A_87 = tpu.memref_slice %arg9[%run_scoped3A, %dma_wait3A_85, %dma_wait3A_86] : memref<2x128x64xf32, #tpu.memory_space<vmem>> -> memref<1x128x64xf32, #tpu.memory_space<vmem>>
        %dma_wait3A_88 = tpu.memref_squeeze %dma_wait3A_87 : memref<1x128x64xf32, #tpu.memory_space<vmem>> -> memref<128x64xf32, #tpu.memory_space<vmem>>
        %dma_wait3A_89 = arith.constant 0 : i32
        %dma_wait3A_90 = tpu.memref_slice %arg8[%add3A_38, %dma_wait3A_89] : memref<80x128xi32, #tpu.memory_space<vmem>> -> memref<1x128xi32, #tpu.memory_space<vmem>>
        %dma_wait3A_91 = tpu.memref_squeeze %dma_wait3A_90 : memref<1x128xi32, #tpu.memory_space<vmem>> -> memref<128xi32, #tpu.memory_space<vmem>>
        %dma_wait3A_92 = arith.constant 0 : i32
        %dma_wait3A_93 = arith.constant 0 : i32
        %dma_wait3A_94 = tpu.memref_slice %arg10[%dma_wait3A_92, %dma_wait3A_93] : memref<10240x64xf32, #tpu.memory_space<vmem_shared>> -> memref<10240x64xf32, #tpu.memory_space<vmem_shared>>
        tpu.wait_indirect_dma semaphore(%run_scoped3A_74 : memref<!tpu.dma_semaphore, #tpu.memory_space<semaphore_mem>>) src(%dma_wait3A_88 : memref<128x64xf32, #tpu.memory_space<vmem>>) dst(%dma_wait3A_94 : memref<10240x64xf32, #tpu.memory_space<vmem_shared>>)
        tpu.yield
      }) : () -> ()
      %add3A_53 = arith.constant 1 : i32
      %add3A_54 = arith.addi %mul3A_36, %add3A_53 : i32
      %dma_wait3A_55 = arith.constant 1 : i32
      %dma_wait3A_56 = arith.constant 0 : i32
      %dma_wait3A_57 = arith.constant 0 : i32
      %dma_wait3A_58 = tpu.memref_slice %arg9[%dma_wait3A_55, %dma_wait3A_56, %dma_wait3A_57] : memref<2x128x64xf32, #tpu.memory_space<vmem>> -> memref<1x128x64xf32, #tpu.memory_space<vmem>>
      %dma_wait3A_59 = tpu.memref_squeeze %dma_wait3A_58 : memref<1x128x64xf32, #tpu.memory_space<vmem>> -> memref<128x64xf32, #tpu.memory_space<vmem>>
      %dma_wait3A_60 = arith.constant 0 : i32
      %dma_wait3A_61 = tpu.memref_slice %arg7[%add3A_54, %dma_wait3A_60] : memref<80x128xi32, #tpu.memory_space<vmem>> -> memref<1x128xi32, #tpu.memory_space<vmem>>
      %dma_wait3A_62 = tpu.memref_squeeze %dma_wait3A_61 : memref<1x128xi32, #tpu.memory_space<vmem>> -> memref<128xi32, #tpu.memory_space<vmem>>
      %dma_wait3A_63 = arith.constant 0 : i32
      %dma_wait3A_64 = arith.constant 0 : i32
      %dma_wait3A_65 = tpu.memref_slice %arg11[%dma_wait3A_63, %dma_wait3A_64] : memref<10240x64xf32, #tpu.memory_space<vmem_shared>> -> memref<10240x64xf32, #tpu.memory_space<vmem_shared>>
      tpu.wait_indirect_dma semaphore(%arg12 : memref<!tpu.dma_semaphore, #tpu.memory_space<semaphore_mem>>) src(%dma_wait3A_65 : memref<10240x64xf32, #tpu.memory_space<vmem_shared>>) dst(%dma_wait3A_59 : memref<128x64xf32, #tpu.memory_space<vmem>>)
      %add3A_66 = arith.constant 1 : i32
      %add3A_67 = arith.addi %add3A_54, %add3A_66 : i32
      %lt3A_68 = arith.constant 80 : i32
      %lt3A_69 = arith.cmpi slt, %add3A_67, %lt3A_68 : i32
      %convert_element_type3A_70 = arith.extui %lt3A_69 : i1 to i32
      %cond3A_71 = arith.constant 0 : i32
      %cond3A_72 = arith.cmpi ne, %convert_element_type3A_70, %cond3A_71 : i32
      scf.if %cond3A_72 {
        %add3A_74 = arith.constant 1 : i32
        %add3A_75 = arith.addi %add3A_54, %add3A_74 : i32
        %dma_start3A_76 = arith.constant 0 : i32
        %dma_start3A_77 = arith.constant 0 : i32
        %dma_start3A_78 = arith.constant 0 : i32
        %dma_start3A_79 = tpu.memref_slice %arg9[%dma_start3A_76, %dma_start3A_77, %dma_start3A_78] : memref<2x128x64xf32, #tpu.memory_space<vmem>> -> memref<1x128x64xf32, #tpu.memory_space<vmem>>
        %dma_start3A_80 = tpu.memref_squeeze %dma_start3A_79 : memref<1x128x64xf32, #tpu.memory_space<vmem>> -> memref<128x64xf32, #tpu.memory_space<vmem>>
        %dma_start3A_81 = arith.constant 0 : i32
        %dma_start3A_82 = tpu.memref_slice %arg7[%add3A_75, %dma_start3A_81] : memref<80x128xi32, #tpu.memory_space<vmem>> -> memref<1x128xi32, #tpu.memory_space<vmem>>
        %dma_start3A_83 = tpu.memref_squeeze %dma_start3A_82 : memref<1x128xi32, #tpu.memory_space<vmem>> -> memref<128xi32, #tpu.memory_space<vmem>>
        %dma_start3A_84 = arith.constant 0 : i32
        %dma_start3A_85 = arith.constant 0 : i32
        %dma_start3A_86 = tpu.memref_slice %arg11[%dma_start3A_84, %dma_start3A_85] : memref<10240x64xf32, #tpu.memory_space<vmem_shared>> -> memref<10240x64xf32, #tpu.memory_space<vmem_shared>>
        tpu.enqueue_indirect_dma source(%dma_start3A_86 : memref<10240x64xf32, #tpu.memory_space<vmem_shared>>) target(%dma_start3A_80 : memref<128x64xf32, #tpu.memory_space<vmem>>) offsets(%dma_start3A_83 : memref<128xi32, #tpu.memory_space<vmem>>) semaphore(%arg12 : memref<!tpu.dma_semaphore, #tpu.memory_space<semaphore_mem>>)
      } else {
      }
      %run_scoped3A_73 = arith.constant 1 : i32
      "tpu.region"() ({
        %run_scoped3A_74 = tpu.sem_alloc : memref<!tpu.dma_semaphore, #tpu.memory_space<semaphore_mem>>
        %dma_start3A_75 = arith.constant 0 : i32
        %dma_start3A_76 = arith.constant 0 : i32
        %dma_start3A_77 = tpu.memref_slice %arg9[%run_scoped3A_73, %dma_start3A_75, %dma_start3A_76] : memref<2x128x64xf32, #tpu.memory_space<vmem>> -> memref<1x128x64xf32, #tpu.memory_space<vmem>>
        %dma_start3A_78 = tpu.memref_squeeze %dma_start3A_77 : memref<1x128x64xf32, #tpu.memory_space<vmem>> -> memref<128x64xf32, #tpu.memory_space<vmem>>
        %dma_start3A_79 = arith.constant 0 : i32
        %dma_start3A_80 = tpu.memref_slice %arg8[%add3A_54, %dma_start3A_79] : memref<80x128xi32, #tpu.memory_space<vmem>> -> memref<1x128xi32, #tpu.memory_space<vmem>>
        %dma_start3A_81 = tpu.memref_squeeze %dma_start3A_80 : memref<1x128xi32, #tpu.memory_space<vmem>> -> memref<128xi32, #tpu.memory_space<vmem>>
        %dma_start3A_82 = arith.constant 0 : i32
        %dma_start3A_83 = arith.constant 0 : i32
        %dma_start3A_84 = tpu.memref_slice %arg10[%dma_start3A_82, %dma_start3A_83] : memref<10240x64xf32, #tpu.memory_space<vmem_shared>> -> memref<10240x64xf32, #tpu.memory_space<vmem_shared>>
        tpu.enqueue_indirect_dma source(%dma_start3A_78 : memref<128x64xf32, #tpu.memory_space<vmem>>) target(%dma_start3A_84 : memref<10240x64xf32, #tpu.memory_space<vmem_shared>>) offsets(%dma_start3A_81 : memref<128xi32, #tpu.memory_space<vmem>>) semaphore(%run_scoped3A_74 : memref<!tpu.dma_semaphore, #tpu.memory_space<semaphore_mem>>) {add = true}
        %dma_wait3A_85 = arith.constant 0 : i32
        %dma_wait3A_86 = arith.constant 0 : i32
        %dma_wait3A_87 = tpu.memref_slice %arg9[%run_scoped3A_73, %dma_wait3A_85, %dma_wait3A_86] : memref<2x128x64xf32, #tpu.memory_space<vmem>> -> memref<1x128x64xf32, #tpu.memory_space<vmem>>
        %dma_wait3A_88 = tpu.memref_squeeze %dma_wait3A_87 : memref<1x128x64xf32, #tpu.memory_space<vmem>> -> memref<128x64xf32, #tpu.memory_space<vmem>>
        %dma_wait3A_89 = arith.constant 0 : i32
        %dma_wait3A_90 = tpu.memref_slice %arg8[%add3A_54, %dma_wait3A_89] : memref<80x128xi32, #tpu.memory_space<vmem>> -> memref<1x128xi32, #tpu.memory_space<vmem>>
        %dma_wait3A_91 = tpu.memref_squeeze %dma_wait3A_90 : memref<1x128xi32, #tpu.memory_space<vmem>> -> memref<128xi32, #tpu.memory_space<vmem>>
        %dma_wait3A_92 = arith.constant 0 : i32
        %dma_wait3A_93 = arith.constant 0 : i32
        %dma_wait3A_94 = tpu.memref_slice %arg10[%dma_wait3A_92, %dma_wait3A_93] : memref<10240x64xf32, #tpu.memory_space<vmem_shared>> -> memref<10240x64xf32, #tpu.memory_space<vmem_shared>>
        tpu.wait_indirect_dma semaphore(%run_scoped3A_74 : memref<!tpu.dma_semaphore, #tpu.memory_space<semaphore_mem>>) src(%dma_wait3A_88 : memref<128x64xf32, #tpu.memory_space<vmem>>) dst(%dma_wait3A_94 : memref<10240x64xf32, #tpu.memory_space<vmem_shared>>)
        tpu.yield
      }) : () -> ()
    }
    %scan3A_28 = arith.constant 40 : i32
    %barrier3A_29 = arith.constant 0 : index
    tpu.barrier barrier_id(%barrier3A_29)
    %mul3A_30 = arith.constant 640 : i32
    %mul3A_31 = arith.muli %arg1, %mul3A_30 : i32
    %mul3A_32 = arith.constant 640 : i32
    %mul3A_33 = arith.muli %arg1, %mul3A_32 : i32
    "tpu.region"() ({
      %run_scoped3A = tpu.sem_alloc : memref<!tpu.dma_semaphore, #tpu.memory_space<semaphore_mem>>
      %dma_start3A_34 = arith.constant 0 : i32
      %dma_start3A_35 = tpu.memref_slice %arg6[%arg0, %mul3A_33, %dma_start3A_34] : memref<2x10240x64xf32, #tpu.memory_space<hbm>> -> memref<1x640x64xf32, #tpu.memory_space<hbm>>
      %dma_start3A_36 = tpu.memref_squeeze %dma_start3A_35 : memref<1x640x64xf32, #tpu.memory_space<hbm>> -> memref<640x64xf32, #tpu.memory_space<hbm>>
      %dma_start3A_37 = arith.constant 0 : i32
      %dma_start3A_38 = tpu.memref_slice %arg10[%mul3A_31, %dma_start3A_37] : memref<10240x64xf32, #tpu.memory_space<vmem_shared>> -> memref<640x64xf32, #tpu.memory_space<vmem_shared>>
      tpu.enqueue_dma source(%dma_start3A_38 : memref<640x64xf32, #tpu.memory_space<vmem_shared>>) target(%dma_start3A_36 : memref<640x64xf32, #tpu.memory_space<hbm>>) target_semaphore(%run_scoped3A : memref<!tpu.dma_semaphore, #tpu.memory_space<semaphore_mem>>)
      %dma_wait3A = arith.constant 0 : i32
      %dma_wait3A_39 = tpu.memref_slice %arg6[%arg0, %mul3A_33, %dma_wait3A] : memref<2x10240x64xf32, #tpu.memory_space<hbm>> -> memref<1x640x64xf32, #tpu.memory_space<hbm>>
      %dma_wait3A_40 = tpu.memref_squeeze %dma_wait3A_39 : memref<1x640x64xf32, #tpu.memory_space<hbm>> -> memref<640x64xf32, #tpu.memory_space<hbm>>
      %dma_wait3A_41 = arith.constant 0 : i32
      %dma_wait3A_42 = tpu.memref_slice %arg10[%mul3A_31, %dma_wait3A_41] : memref<10240x64xf32, #tpu.memory_space<vmem_shared>> -> memref<640x64xf32, #tpu.memory_space<vmem_shared>>
      tpu.wait_dma2 semaphore(%run_scoped3A : memref<!tpu.dma_semaphore, #tpu.memory_space<semaphore_mem>>) src(%dma_wait3A_42 : memref<640x64xf32, #tpu.memory_space<vmem_shared>>) dst(%dma_wait3A_40 : memref<640x64xf32, #tpu.memory_space<hbm>>)
      tpu.yield
    }) : () -> ()
    return
  }
}

#map = affine_map<(d0, d1) -> (0, 0)>
#map1 = affine_map<(d0, d1) -> (0, 0, 0)>
module attributes {stable_mosaic.version = 14 : i64} {
  func.func @prop_kernel(%arg0: i32, %arg1: i32, %arg2: memref<10240x64xf32, #tpu.memory_space<hbm>>, %arg3: memref<2560x128xi32, #tpu.memory_space<hbm>>, %arg4: memref<2560x128xi32, #tpu.memory_space<hbm>>, %arg5: memref<10240x64xf32, #tpu.memory_space<hbm>>, %arg6: memref<2x10240x64xf32, #tpu.memory_space<hbm>>, %arg7: memref<80x128xi32, #tpu.memory_space<vmem>>, %arg8: memref<80x128xi32, #tpu.memory_space<vmem>>, %arg9: memref<2x128x64xf32, #tpu.memory_space<vmem>>, %arg10: memref<10240x64xf32, #tpu.memory_space<vmem_shared>>, %arg11: memref<10240x64xf32, #tpu.memory_space<vmem_shared>>, %arg12: memref<!tpu.dma_semaphore, #tpu.memory_space<semaphore_mem>>) attributes {dimension_semantics = [#tpu.dimension_semantics<core_parallel>, #tpu.dimension_semantics<subcore_parallel>], iteration_bounds = array<i64: 2, 16>, scalar_prefetch = 0 : i64, scratch_operands = 6 : i64, tpu.core_type = #tpu.core_type<sc_vector_subcore>, window_params = [{transform_indices = #map}, {transform_indices = #map}, {transform_indices = #map}, {transform_indices = #map}, {transform_indices = #map1}]} {
    %mul3A = arith.constant 2 : i32
    %mul3A_0 = arith.muli %arg1, %mul3A : i32
    %add3A = arith.addi %mul3A_0, %arg0 : i32
    %mul3A_1 = arith.constant 80 : i32
    %mul3A_2 = arith.muli %add3A, %mul3A_1 : i32
    "tpu.region"() ({
      %run_scoped3A = tpu.sem_alloc : memref<!tpu.dma_semaphore, #tpu.memory_space<semaphore_mem>>
      %dma_start3A_34 = arith.constant 0 : i32
      %dma_start3A_35 = tpu.memref_slice %arg3[%mul3A_2, %dma_start3A_34] : memref<2560x128xi32, #tpu.memory_space<hbm>> -> memref<80x128xi32, #tpu.memory_space<hbm>>
      %dma_start3A_36 = arith.constant 0 : i32
      %dma_start3A_37 = tpu.memref_slice %arg3[%mul3A_2, %dma_start3A_36] : memref<2560x128xi32, #tpu.memory_space<hbm>> -> memref<80x128xi32, #tpu.memory_space<hbm>>
      tpu.enqueue_dma source(%dma_start3A_37 : memref<80x128xi32, #tpu.memory_space<hbm>>) target(%arg7 : memref<80x128xi32, #tpu.memory_space<vmem>>) target_semaphore(%run_scoped3A : memref<!tpu.dma_semaphore, #tpu.memory_space<semaphore_mem>>)
      %dma_wait3A = arith.constant 0 : i32
      %dma_wait3A_38 = tpu.memref_slice %arg3[%mul3A_2, %dma_wait3A] : memref<2560x128xi32, #tpu.memory_space<hbm>> -> memref<80x128xi32, #tpu.memory_space<hbm>>
      %dma_wait3A_39 = arith.constant 0 : i32
      %dma_wait3A_40 = tpu.memref_slice %arg3[%mul3A_2, %dma_wait3A_39] : memref<2560x128xi32, #tpu.memory_space<hbm>> -> memref<80x128xi32, #tpu.memory_space<hbm>>
      tpu.wait_dma2 semaphore(%run_scoped3A : memref<!tpu.dma_semaphore, #tpu.memory_space<semaphore_mem>>) src(%dma_wait3A_40 : memref<80x128xi32, #tpu.memory_space<hbm>>) dst(%arg7 : memref<80x128xi32, #tpu.memory_space<vmem>>)
      tpu.yield
    }) : () -> ()
    %mul3A_3 = arith.constant 80 : i32
    %mul3A_4 = arith.muli %add3A, %mul3A_3 : i32
    "tpu.region"() ({
      %run_scoped3A = tpu.sem_alloc : memref<!tpu.dma_semaphore, #tpu.memory_space<semaphore_mem>>
      %dma_start3A_34 = arith.constant 0 : i32
      %dma_start3A_35 = tpu.memref_slice %arg4[%mul3A_4, %dma_start3A_34] : memref<2560x128xi32, #tpu.memory_space<hbm>> -> memref<80x128xi32, #tpu.memory_space<hbm>>
      %dma_start3A_36 = arith.constant 0 : i32
      %dma_start3A_37 = tpu.memref_slice %arg4[%mul3A_4, %dma_start3A_36] : memref<2560x128xi32, #tpu.memory_space<hbm>> -> memref<80x128xi32, #tpu.memory_space<hbm>>
      tpu.enqueue_dma source(%dma_start3A_37 : memref<80x128xi32, #tpu.memory_space<hbm>>) target(%arg8 : memref<80x128xi32, #tpu.memory_space<vmem>>) target_semaphore(%run_scoped3A : memref<!tpu.dma_semaphore, #tpu.memory_space<semaphore_mem>>)
      %dma_wait3A = arith.constant 0 : i32
      %dma_wait3A_38 = tpu.memref_slice %arg4[%mul3A_4, %dma_wait3A] : memref<2560x128xi32, #tpu.memory_space<hbm>> -> memref<80x128xi32, #tpu.memory_space<hbm>>
      %dma_wait3A_39 = arith.constant 0 : i32
      %dma_wait3A_40 = tpu.memref_slice %arg4[%mul3A_4, %dma_wait3A_39] : memref<2560x128xi32, #tpu.memory_space<hbm>> -> memref<80x128xi32, #tpu.memory_space<hbm>>
      tpu.wait_dma2 semaphore(%run_scoped3A : memref<!tpu.dma_semaphore, #tpu.memory_space<semaphore_mem>>) src(%dma_wait3A_40 : memref<80x128xi32, #tpu.memory_space<hbm>>) dst(%arg8 : memref<80x128xi32, #tpu.memory_space<vmem>>)
      tpu.yield
    }) : () -> ()
    %mul3A_5 = arith.constant 640 : i32
    %mul3A_6 = arith.muli %arg1, %mul3A_5 : i32
    %mul3A_7 = arith.constant 640 : i32
    %mul3A_8 = arith.muli %arg1, %mul3A_7 : i32
    "tpu.region"() ({
      %run_scoped3A = tpu.sem_alloc : memref<!tpu.dma_semaphore, #tpu.memory_space<semaphore_mem>>
      %dma_start3A_34 = arith.constant 0 : i32
      %dma_start3A_35 = tpu.memref_slice %arg11[%mul3A_8, %dma_start3A_34] : memref<10240x64xf32, #tpu.memory_space<vmem_shared>> -> memref<640x64xf32, #tpu.memory_space<vmem_shared>>
      %dma_start3A_36 = arith.constant 0 : i32
      %dma_start3A_37 = tpu.memref_slice %arg2[%mul3A_6, %dma_start3A_36] : memref<10240x64xf32, #tpu.memory_space<hbm>> -> memref<640x64xf32, #tpu.memory_space<hbm>>
      tpu.enqueue_dma source(%dma_start3A_37 : memref<640x64xf32, #tpu.memory_space<hbm>>) target(%dma_start3A_35 : memref<640x64xf32, #tpu.memory_space<vmem_shared>>) target_semaphore(%run_scoped3A : memref<!tpu.dma_semaphore, #tpu.memory_space<semaphore_mem>>)
      %dma_wait3A = arith.constant 0 : i32
      %dma_wait3A_38 = tpu.memref_slice %arg11[%mul3A_8, %dma_wait3A] : memref<10240x64xf32, #tpu.memory_space<vmem_shared>> -> memref<640x64xf32, #tpu.memory_space<vmem_shared>>
      %dma_wait3A_39 = arith.constant 0 : i32
      %dma_wait3A_40 = tpu.memref_slice %arg2[%mul3A_6, %dma_wait3A_39] : memref<10240x64xf32, #tpu.memory_space<hbm>> -> memref<640x64xf32, #tpu.memory_space<hbm>>
      tpu.wait_dma2 semaphore(%run_scoped3A : memref<!tpu.dma_semaphore, #tpu.memory_space<semaphore_mem>>) src(%dma_wait3A_40 : memref<640x64xf32, #tpu.memory_space<hbm>>) dst(%dma_wait3A_38 : memref<640x64xf32, #tpu.memory_space<vmem_shared>>)
      tpu.yield
    }) : () -> ()
    %mul3A_9 = arith.constant 640 : i32
    %mul3A_10 = arith.muli %arg1, %mul3A_9 : i32
    %mul3A_11 = arith.constant 640 : i32
    %mul3A_12 = arith.muli %arg1, %mul3A_11 : i32
    "tpu.region"() ({
      %run_scoped3A = tpu.sem_alloc : memref<!tpu.dma_semaphore, #tpu.memory_space<semaphore_mem>>
      %dma_start3A_34 = arith.constant 0 : i32
      %dma_start3A_35 = tpu.memref_slice %arg10[%mul3A_12, %dma_start3A_34] : memref<10240x64xf32, #tpu.memory_space<vmem_shared>> -> memref<640x64xf32, #tpu.memory_space<vmem_shared>>
      %dma_start3A_36 = arith.constant 0 : i32
      %dma_start3A_37 = tpu.memref_slice %arg5[%mul3A_10, %dma_start3A_36] : memref<10240x64xf32, #tpu.memory_space<hbm>> -> memref<640x64xf32, #tpu.memory_space<hbm>>
      tpu.enqueue_dma source(%dma_start3A_37 : memref<640x64xf32, #tpu.memory_space<hbm>>) target(%dma_start3A_35 : memref<640x64xf32, #tpu.memory_space<vmem_shared>>) target_semaphore(%run_scoped3A : memref<!tpu.dma_semaphore, #tpu.memory_space<semaphore_mem>>)
      %dma_wait3A = arith.constant 0 : i32
      %dma_wait3A_38 = tpu.memref_slice %arg10[%mul3A_12, %dma_wait3A] : memref<10240x64xf32, #tpu.memory_space<vmem_shared>> -> memref<640x64xf32, #tpu.memory_space<vmem_shared>>
      %dma_wait3A_39 = arith.constant 0 : i32
      %dma_wait3A_40 = tpu.memref_slice %arg5[%mul3A_10, %dma_wait3A_39] : memref<10240x64xf32, #tpu.memory_space<hbm>> -> memref<640x64xf32, #tpu.memory_space<hbm>>
      tpu.wait_dma2 semaphore(%run_scoped3A : memref<!tpu.dma_semaphore, #tpu.memory_space<semaphore_mem>>) src(%dma_wait3A_40 : memref<640x64xf32, #tpu.memory_space<hbm>>) dst(%dma_wait3A_38 : memref<640x64xf32, #tpu.memory_space<vmem_shared>>)
      tpu.yield
    }) : () -> ()
    %barrier3A = arith.constant 0 : index
    tpu.barrier barrier_id(%barrier3A)
    %dma_start3A = arith.constant 0 : i32
    %dma_start3A_13 = arith.constant 0 : i32
    %dma_start3A_14 = arith.constant 0 : i32
    %dma_start3A_15 = arith.constant 0 : i32
    %dma_start3A_16 = tpu.memref_slice %arg9[%dma_start3A_13, %dma_start3A_14, %dma_start3A_15] : memref<2x128x64xf32, #tpu.memory_space<vmem>> -> memref<1x128x64xf32, #tpu.memory_space<vmem>>
    %dma_start3A_17 = tpu.memref_squeeze %dma_start3A_16 : memref<1x128x64xf32, #tpu.memory_space<vmem>> -> memref<128x64xf32, #tpu.memory_space<vmem>>
    %dma_start3A_18 = arith.constant 0 : i32
    %dma_start3A_19 = tpu.memref_slice %arg7[%dma_start3A, %dma_start3A_18] : memref<80x128xi32, #tpu.memory_space<vmem>> -> memref<1x128xi32, #tpu.memory_space<vmem>>
    %dma_start3A_20 = tpu.memref_squeeze %dma_start3A_19 : memref<1x128xi32, #tpu.memory_space<vmem>> -> memref<128xi32, #tpu.memory_space<vmem>>
    %dma_start3A_21 = arith.constant 0 : i32
    %dma_start3A_22 = arith.constant 0 : i32
    %dma_start3A_23 = tpu.memref_slice %arg11[%dma_start3A_21, %dma_start3A_22] : memref<10240x64xf32, #tpu.memory_space<vmem_shared>> -> memref<10240x64xf32, #tpu.memory_space<vmem_shared>>
    tpu.enqueue_indirect_dma source(%dma_start3A_23 : memref<10240x64xf32, #tpu.memory_space<vmem_shared>>) target(%dma_start3A_17 : memref<128x64xf32, #tpu.memory_space<vmem>>) offsets(%dma_start3A_20 : memref<128xi32, #tpu.memory_space<vmem>>) semaphore(%arg12 : memref<!tpu.dma_semaphore, #tpu.memory_space<semaphore_mem>>)
    %scan3A = arith.constant 0 : i32
    %scan3A_24 = arith.constant 0 : i32
    %scan3A_25 = arith.constant 40 : i32
    %scan3A_26 = arith.addi %scan3A_24, %scan3A_25 : i32
    %scan3A_27 = arith.constant 1 : i32
    scf.for %scan3A_34 = %scan3A_24 to %scan3A_26 step %scan3A_27  : i32 {
      %mul3A_35 = arith.constant 2 : i32
      %mul3A_36 = arith.muli %mul3A_35, %scan3A_34 : i32
      %add3A_37 = arith.constant 0 : i32
      %add3A_38 = arith.addi %mul3A_36, %add3A_37 : i32
      %dma_wait3A = arith.constant 0 : i32
      %dma_wait3A_39 = arith.constant 0 : i32
      %dma_wait3A_40 = arith.constant 0 : i32
      %dma_wait3A_41 = tpu.memref_slice %arg9[%dma_wait3A, %dma_wait3A_39, %dma_wait3A_40] : memref<2x128x64xf32, #tpu.memory_space<vmem>> -> memref<1x128x64xf32, #tpu.memory_space<vmem>>
      %dma_wait3A_42 = tpu.memref_squeeze %dma_wait3A_41 : memref<1x128x64xf32, #tpu.memory_space<vmem>> -> memref<128x64xf32, #tpu.memory_space<vmem>>
      %dma_wait3A_43 = arith.constant 0 : i32
      %dma_wait3A_44 = tpu.memref_slice %arg7[%add3A_38, %dma_wait3A_43] : memref<80x128xi32, #tpu.memory_space<vmem>> -> memref<1x128xi32, #tpu.memory_space<vmem>>
      %dma_wait3A_45 = tpu.memref_squeeze %dma_wait3A_44 : memref<1x128xi32, #tpu.memory_space<vmem>> -> memref<128xi32, #tpu.memory_space<vmem>>
      %dma_wait3A_46 = arith.constant 0 : i32
      %dma_wait3A_47 = arith.constant 0 : i32
      %dma_wait3A_48 = tpu.memref_slice %arg11[%dma_wait3A_46, %dma_wait3A_47] : memref<10240x64xf32, #tpu.memory_space<vmem_shared>> -> memref<10240x64xf32, #tpu.memory_space<vmem_shared>>
      tpu.wait_indirect_dma semaphore(%arg12 : memref<!tpu.dma_semaphore, #tpu.memory_space<semaphore_mem>>) src(%dma_wait3A_48 : memref<10240x64xf32, #tpu.memory_space<vmem_shared>>) dst(%dma_wait3A_42 : memref<128x64xf32, #tpu.memory_space<vmem>>)
      %add3A_49 = arith.constant 1 : i32
      %add3A_50 = arith.addi %add3A_38, %add3A_49 : i32
      %lt3A = arith.constant 80 : i32
      %lt3A_51 = arith.cmpi slt, %add3A_50, %lt3A : i32
      %convert_element_type3A = arith.extui %lt3A_51 : i1 to i32
      %cond3A = arith.constant 0 : i32
      %cond3A_52 = arith.cmpi ne, %convert_element_type3A, %cond3A : i32
      scf.if %cond3A_52 {
        %add3A_74 = arith.constant 1 : i32
        %add3A_75 = arith.addi %add3A_38, %add3A_74 : i32
        %dma_start3A_76 = arith.constant 1 : i32
        %dma_start3A_77 = arith.constant 0 : i32
        %dma_start3A_78 = arith.constant 0 : i32
        %dma_start3A_79 = tpu.memref_slice %arg9[%dma_start3A_76, %dma_start3A_77, %dma_start3A_78] : memref<2x128x64xf32, #tpu.memory_space<vmem>> -> memref<1x128x64xf32, #tpu.memory_space<vmem>>
        %dma_start3A_80 = tpu.memref_squeeze %dma_start3A_79 : memref<1x128x64xf32, #tpu.memory_space<vmem>> -> memref<128x64xf32, #tpu.memory_space<vmem>>
        %dma_start3A_81 = arith.constant 0 : i32
        %dma_start3A_82 = tpu.memref_slice %arg7[%add3A_75, %dma_start3A_81] : memref<80x128xi32, #tpu.memory_space<vmem>> -> memref<1x128xi32, #tpu.memory_space<vmem>>
        %dma_start3A_83 = tpu.memref_squeeze %dma_start3A_82 : memref<1x128xi32, #tpu.memory_space<vmem>> -> memref<128xi32, #tpu.memory_space<vmem>>
        %dma_start3A_84 = arith.constant 0 : i32
        %dma_start3A_85 = arith.constant 0 : i32
        %dma_start3A_86 = tpu.memref_slice %arg11[%dma_start3A_84, %dma_start3A_85] : memref<10240x64xf32, #tpu.memory_space<vmem_shared>> -> memref<10240x64xf32, #tpu.memory_space<vmem_shared>>
        tpu.enqueue_indirect_dma source(%dma_start3A_86 : memref<10240x64xf32, #tpu.memory_space<vmem_shared>>) target(%dma_start3A_80 : memref<128x64xf32, #tpu.memory_space<vmem>>) offsets(%dma_start3A_83 : memref<128xi32, #tpu.memory_space<vmem>>) semaphore(%arg12 : memref<!tpu.dma_semaphore, #tpu.memory_space<semaphore_mem>>)
      } else {
      }
      %run_scoped3A = arith.constant 0 : i32
      "tpu.region"() ({
        %run_scoped3A_74 = tpu.sem_alloc : memref<!tpu.dma_semaphore, #tpu.memory_space<semaphore_mem>>
        %dma_start3A_75 = arith.constant 0 : i32
        %dma_start3A_76 = arith.constant 0 : i32
        %dma_start3A_77 = tpu.memref_slice %arg9[%run_scoped3A, %dma_start3A_75, %dma_start3A_76] : memref<2x128x64xf32, #tpu.memory_space<vmem>> -> memref<1x128x64xf32, #tpu.memory_space<vmem>>
        %dma_start3A_78 = tpu.memref_squeeze %dma_start3A_77 : memref<1x128x64xf32, #tpu.memory_space<vmem>> -> memref<128x64xf32, #tpu.memory_space<vmem>>
        %dma_start3A_79 = arith.constant 0 : i32
        %dma_start3A_80 = tpu.memref_slice %arg8[%add3A_38, %dma_start3A_79] : memref<80x128xi32, #tpu.memory_space<vmem>> -> memref<1x128xi32, #tpu.memory_space<vmem>>
        %dma_start3A_81 = tpu.memref_squeeze %dma_start3A_80 : memref<1x128xi32, #tpu.memory_space<vmem>> -> memref<128xi32, #tpu.memory_space<vmem>>
        %dma_start3A_82 = arith.constant 0 : i32
        %dma_start3A_83 = arith.constant 0 : i32
        %dma_start3A_84 = tpu.memref_slice %arg10[%dma_start3A_82, %dma_start3A_83] : memref<10240x64xf32, #tpu.memory_space<vmem_shared>> -> memref<10240x64xf32, #tpu.memory_space<vmem_shared>>
        tpu.enqueue_indirect_dma source(%dma_start3A_78 : memref<128x64xf32, #tpu.memory_space<vmem>>) target(%dma_start3A_84 : memref<10240x64xf32, #tpu.memory_space<vmem_shared>>) offsets(%dma_start3A_81 : memref<128xi32, #tpu.memory_space<vmem>>) semaphore(%run_scoped3A_74 : memref<!tpu.dma_semaphore, #tpu.memory_space<semaphore_mem>>) {add = true}
        %dma_wait3A_85 = arith.constant 0 : i32
        %dma_wait3A_86 = arith.constant 0 : i32
        %dma_wait3A_87 = tpu.memref_slice %arg9[%run_scoped3A, %dma_wait3A_85, %dma_wait3A_86] : memref<2x128x64xf32, #tpu.memory_space<vmem>> -> memref<1x128x64xf32, #tpu.memory_space<vmem>>
        %dma_wait3A_88 = tpu.memref_squeeze %dma_wait3A_87 : memref<1x128x64xf32, #tpu.memory_space<vmem>> -> memref<128x64xf32, #tpu.memory_space<vmem>>
        %dma_wait3A_89 = arith.constant 0 : i32
        %dma_wait3A_90 = tpu.memref_slice %arg8[%add3A_38, %dma_wait3A_89] : memref<80x128xi32, #tpu.memory_space<vmem>> -> memref<1x128xi32, #tpu.memory_space<vmem>>
        %dma_wait3A_91 = tpu.memref_squeeze %dma_wait3A_90 : memref<1x128xi32, #tpu.memory_space<vmem>> -> memref<128xi32, #tpu.memory_space<vmem>>
        %dma_wait3A_92 = arith.constant 0 : i32
        %dma_wait3A_93 = arith.constant 0 : i32
        %dma_wait3A_94 = tpu.memref_slice %arg10[%dma_wait3A_92, %dma_wait3A_93] : memref<10240x64xf32, #tpu.memory_space<vmem_shared>> -> memref<10240x64xf32, #tpu.memory_space<vmem_shared>>
        tpu.wait_indirect_dma semaphore(%run_scoped3A_74 : memref<!tpu.dma_semaphore, #tpu.memory_space<semaphore_mem>>) src(%dma_wait3A_88 : memref<128x64xf32, #tpu.memory_space<vmem>>) dst(%dma_wait3A_94 : memref<10240x64xf32, #tpu.memory_space<vmem_shared>>)
        tpu.yield
      }) : () -> ()
      %add3A_53 = arith.constant 1 : i32
      %add3A_54 = arith.addi %mul3A_36, %add3A_53 : i32
      %dma_wait3A_55 = arith.constant 1 : i32
      %dma_wait3A_56 = arith.constant 0 : i32
      %dma_wait3A_57 = arith.constant 0 : i32
      %dma_wait3A_58 = tpu.memref_slice %arg9[%dma_wait3A_55, %dma_wait3A_56, %dma_wait3A_57] : memref<2x128x64xf32, #tpu.memory_space<vmem>> -> memref<1x128x64xf32, #tpu.memory_space<vmem>>
      %dma_wait3A_59 = tpu.memref_squeeze %dma_wait3A_58 : memref<1x128x64xf32, #tpu.memory_space<vmem>> -> memref<128x64xf32, #tpu.memory_space<vmem>>
      %dma_wait3A_60 = arith.constant 0 : i32
      %dma_wait3A_61 = tpu.memref_slice %arg7[%add3A_54, %dma_wait3A_60] : memref<80x128xi32, #tpu.memory_space<vmem>> -> memref<1x128xi32, #tpu.memory_space<vmem>>
      %dma_wait3A_62 = tpu.memref_squeeze %dma_wait3A_61 : memref<1x128xi32, #tpu.memory_space<vmem>> -> memref<128xi32, #tpu.memory_space<vmem>>
      %dma_wait3A_63 = arith.constant 0 : i32
      %dma_wait3A_64 = arith.constant 0 : i32
      %dma_wait3A_65 = tpu.memref_slice %arg11[%dma_wait3A_63, %dma_wait3A_64] : memref<10240x64xf32, #tpu.memory_space<vmem_shared>> -> memref<10240x64xf32, #tpu.memory_space<vmem_shared>>
      tpu.wait_indirect_dma semaphore(%arg12 : memref<!tpu.dma_semaphore, #tpu.memory_space<semaphore_mem>>) src(%dma_wait3A_65 : memref<10240x64xf32, #tpu.memory_space<vmem_shared>>) dst(%dma_wait3A_59 : memref<128x64xf32, #tpu.memory_space<vmem>>)
      %add3A_66 = arith.constant 1 : i32
      %add3A_67 = arith.addi %add3A_54, %add3A_66 : i32
      %lt3A_68 = arith.constant 80 : i32
      %lt3A_69 = arith.cmpi slt, %add3A_67, %lt3A_68 : i32
      %convert_element_type3A_70 = arith.extui %lt3A_69 : i1 to i32
      %cond3A_71 = arith.constant 0 : i32
      %cond3A_72 = arith.cmpi ne, %convert_element_type3A_70, %cond3A_71 : i32
      scf.if %cond3A_72 {
        %add3A_74 = arith.constant 1 : i32
        %add3A_75 = arith.addi %add3A_54, %add3A_74 : i32
        %dma_start3A_76 = arith.constant 0 : i32
        %dma_start3A_77 = arith.constant 0 : i32
        %dma_start3A_78 = arith.constant 0 : i32
        %dma_start3A_79 = tpu.memref_slice %arg9[%dma_start3A_76, %dma_start3A_77, %dma_start3A_78] : memref<2x128x64xf32, #tpu.memory_space<vmem>> -> memref<1x128x64xf32, #tpu.memory_space<vmem>>
        %dma_start3A_80 = tpu.memref_squeeze %dma_start3A_79 : memref<1x128x64xf32, #tpu.memory_space<vmem>> -> memref<128x64xf32, #tpu.memory_space<vmem>>
        %dma_start3A_81 = arith.constant 0 : i32
        %dma_start3A_82 = tpu.memref_slice %arg7[%add3A_75, %dma_start3A_81] : memref<80x128xi32, #tpu.memory_space<vmem>> -> memref<1x128xi32, #tpu.memory_space<vmem>>
        %dma_start3A_83 = tpu.memref_squeeze %dma_start3A_82 : memref<1x128xi32, #tpu.memory_space<vmem>> -> memref<128xi32, #tpu.memory_space<vmem>>
        %dma_start3A_84 = arith.constant 0 : i32
        %dma_start3A_85 = arith.constant 0 : i32
        %dma_start3A_86 = tpu.memref_slice %arg11[%dma_start3A_84, %dma_start3A_85] : memref<10240x64xf32, #tpu.memory_space<vmem_shared>> -> memref<10240x64xf32, #tpu.memory_space<vmem_shared>>
        tpu.enqueue_indirect_dma source(%dma_start3A_86 : memref<10240x64xf32, #tpu.memory_space<vmem_shared>>) target(%dma_start3A_80 : memref<128x64xf32, #tpu.memory_space<vmem>>) offsets(%dma_start3A_83 : memref<128xi32, #tpu.memory_space<vmem>>) semaphore(%arg12 : memref<!tpu.dma_semaphore, #tpu.memory_space<semaphore_mem>>)
      } else {
      }
      %run_scoped3A_73 = arith.constant 1 : i32
      "tpu.region"() ({
        %run_scoped3A_74 = tpu.sem_alloc : memref<!tpu.dma_semaphore, #tpu.memory_space<semaphore_mem>>
        %dma_start3A_75 = arith.constant 0 : i32
        %dma_start3A_76 = arith.constant 0 : i32
        %dma_start3A_77 = tpu.memref_slice %arg9[%run_scoped3A_73, %dma_start3A_75, %dma_start3A_76] : memref<2x128x64xf32, #tpu.memory_space<vmem>> -> memref<1x128x64xf32, #tpu.memory_space<vmem>>
        %dma_start3A_78 = tpu.memref_squeeze %dma_start3A_77 : memref<1x128x64xf32, #tpu.memory_space<vmem>> -> memref<128x64xf32, #tpu.memory_space<vmem>>
        %dma_start3A_79 = arith.constant 0 : i32
        %dma_start3A_80 = tpu.memref_slice %arg8[%add3A_54, %dma_start3A_79] : memref<80x128xi32, #tpu.memory_space<vmem>> -> memref<1x128xi32, #tpu.memory_space<vmem>>
        %dma_start3A_81 = tpu.memref_squeeze %dma_start3A_80 : memref<1x128xi32, #tpu.memory_space<vmem>> -> memref<128xi32, #tpu.memory_space<vmem>>
        %dma_start3A_82 = arith.constant 0 : i32
        %dma_start3A_83 = arith.constant 0 : i32
        %dma_start3A_84 = tpu.memref_slice %arg10[%dma_start3A_82, %dma_start3A_83] : memref<10240x64xf32, #tpu.memory_space<vmem_shared>> -> memref<10240x64xf32, #tpu.memory_space<vmem_shared>>
        tpu.enqueue_indirect_dma source(%dma_start3A_78 : memref<128x64xf32, #tpu.memory_space<vmem>>) target(%dma_start3A_84 : memref<10240x64xf32, #tpu.memory_space<vmem_shared>>) offsets(%dma_start3A_81 : memref<128xi32, #tpu.memory_space<vmem>>) semaphore(%run_scoped3A_74 : memref<!tpu.dma_semaphore, #tpu.memory_space<semaphore_mem>>) {add = true}
        %dma_wait3A_85 = arith.constant 0 : i32
        %dma_wait3A_86 = arith.constant 0 : i32
        %dma_wait3A_87 = tpu.memref_slice %arg9[%run_scoped3A_73, %dma_wait3A_85, %dma_wait3A_86] : memref<2x128x64xf32, #tpu.memory_space<vmem>> -> memref<1x128x64xf32, #tpu.memory_space<vmem>>
        %dma_wait3A_88 = tpu.memref_squeeze %dma_wait3A_87 : memref<1x128x64xf32, #tpu.memory_space<vmem>> -> memref<128x64xf32, #tpu.memory_space<vmem>>
        %dma_wait3A_89 = arith.constant 0 : i32
        %dma_wait3A_90 = tpu.memref_slice %arg8[%add3A_54, %dma_wait3A_89] : memref<80x128xi32, #tpu.memory_space<vmem>> -> memref<1x128xi32, #tpu.memory_space<vmem>>
        %dma_wait3A_91 = tpu.memref_squeeze %dma_wait3A_90 : memref<1x128xi32, #tpu.memory_space<vmem>> -> memref<128xi32, #tpu.memory_space<vmem>>
        %dma_wait3A_92 = arith.constant 0 : i32
        %dma_wait3A_93 = arith.constant 0 : i32
        %dma_wait3A_94 = tpu.memref_slice %arg10[%dma_wait3A_92, %dma_wait3A_93] : memref<10240x64xf32, #tpu.memory_space<vmem_shared>> -> memref<10240x64xf32, #tpu.memory_space<vmem_shared>>
        tpu.wait_indirect_dma semaphore(%run_scoped3A_74 : memref<!tpu.dma_semaphore, #tpu.memory_space<semaphore_mem>>) src(%dma_wait3A_88 : memref<128x64xf32, #tpu.memory_space<vmem>>) dst(%dma_wait3A_94 : memref<10240x64xf32, #tpu.memory_space<vmem_shared>>)
        tpu.yield
      }) : () -> ()
    }
    %scan3A_28 = arith.constant 40 : i32
    %barrier3A_29 = arith.constant 0 : index
    tpu.barrier barrier_id(%barrier3A_29)
    %mul3A_30 = arith.constant 640 : i32
    %mul3A_31 = arith.muli %arg1, %mul3A_30 : i32
    %mul3A_32 = arith.constant 640 : i32
    %mul3A_33 = arith.muli %arg1, %mul3A_32 : i32
    "tpu.region"() ({
      %run_scoped3A = tpu.sem_alloc : memref<!tpu.dma_semaphore, #tpu.memory_space<semaphore_mem>>
      %dma_start3A_34 = arith.constant 0 : i32
      %dma_start3A_35 = tpu.memref_slice %arg6[%arg0, %mul3A_33, %dma_start3A_34] : memref<2x10240x64xf32, #tpu.memory_space<hbm>> -> memref<1x640x64xf32, #tpu.memory_space<hbm>>
      %dma_start3A_36 = tpu.memref_squeeze %dma_start3A_35 : memref<1x640x64xf32, #tpu.memory_space<hbm>> -> memref<640x64xf32, #tpu.memory_space<hbm>>
      %dma_start3A_37 = arith.constant 0 : i32
      %dma_start3A_38 = tpu.memref_slice %arg10[%mul3A_31, %dma_start3A_37] : memref<10240x64xf32, #tpu.memory_space<vmem_shared>> -> memref<640x64xf32, #tpu.memory_space<vmem_shared>>
      tpu.enqueue_dma source(%dma_start3A_38 : memref<640x64xf32, #tpu.memory_space<vmem_shared>>) target(%dma_start3A_36 : memref<640x64xf32, #tpu.memory_space<hbm>>) target_semaphore(%run_scoped3A : memref<!tpu.dma_semaphore, #tpu.memory_space<semaphore_mem>>)
      %dma_wait3A = arith.constant 0 : i32
      %dma_wait3A_39 = tpu.memref_slice %arg6[%arg0, %mul3A_33, %dma_wait3A] : memref<2x10240x64xf32, #tpu.memory_space<hbm>> -> memref<1x640x64xf32, #tpu.memory_space<hbm>>
      %dma_wait3A_40 = tpu.memref_squeeze %dma_wait3A_39 : memref<1x640x64xf32, #tpu.memory_space<hbm>> -> memref<640x64xf32, #tpu.memory_space<hbm>>
      %dma_wait3A_41 = arith.constant 0 : i32
      %dma_wait3A_42 = tpu.memref_slice %arg10[%mul3A_31, %dma_wait3A_41] : memref<10240x64xf32, #tpu.memory_space<vmem_shared>> -> memref<640x64xf32, #tpu.memory_space<vmem_shared>>
      tpu.wait_dma2 semaphore(%run_scoped3A : memref<!tpu.dma_semaphore, #tpu.memory_space<semaphore_mem>>) src(%dma_wait3A_42 : memref<640x64xf32, #tpu.memory_space<vmem_shared>>) dst(%dma_wait3A_40 : memref<640x64xf32, #tpu.memory_space<hbm>>)
      tpu.yield
    }) : () -> ()
    return
  }
}

#map = affine_map<(d0, d1) -> (0, 0)>
#map1 = affine_map<(d0, d1) -> (0, 0, 0)>
module attributes {stable_mosaic.version = 14 : i64} {
  func.func @prop_kernel(%arg0: i32, %arg1: i32, %arg2: memref<10240x32xf32, #tpu.memory_space<hbm>>, %arg3: memref<2560x128xi32, #tpu.memory_space<hbm>>, %arg4: memref<2560x128xi32, #tpu.memory_space<hbm>>, %arg5: memref<10240x32xf32, #tpu.memory_space<hbm>>, %arg6: memref<2x10240x32xf32, #tpu.memory_space<hbm>>, %arg7: memref<80x128xi32, #tpu.memory_space<vmem>>, %arg8: memref<80x128xi32, #tpu.memory_space<vmem>>, %arg9: memref<2x128x32xf32, #tpu.memory_space<vmem>>, %arg10: memref<10240x32xf32, #tpu.memory_space<vmem_shared>>, %arg11: memref<10240x32xf32, #tpu.memory_space<vmem_shared>>, %arg12: memref<!tpu.dma_semaphore, #tpu.memory_space<semaphore_mem>>) attributes {dimension_semantics = [#tpu.dimension_semantics<core_parallel>, #tpu.dimension_semantics<subcore_parallel>], iteration_bounds = array<i64: 2, 16>, scalar_prefetch = 0 : i64, scratch_operands = 6 : i64, tpu.core_type = #tpu.core_type<sc_vector_subcore>, window_params = [{transform_indices = #map}, {transform_indices = #map}, {transform_indices = #map}, {transform_indices = #map}, {transform_indices = #map1}]} {
    %mul3A = arith.constant 2 : i32
    %mul3A_0 = arith.muli %arg1, %mul3A : i32
    %add3A = arith.addi %mul3A_0, %arg0 : i32
    %mul3A_1 = arith.constant 80 : i32
    %mul3A_2 = arith.muli %add3A, %mul3A_1 : i32
    "tpu.region"() ({
      %run_scoped3A = tpu.sem_alloc : memref<!tpu.dma_semaphore, #tpu.memory_space<semaphore_mem>>
      %dma_start3A_34 = arith.constant 0 : i32
      %dma_start3A_35 = tpu.memref_slice %arg3[%mul3A_2, %dma_start3A_34] : memref<2560x128xi32, #tpu.memory_space<hbm>> -> memref<80x128xi32, #tpu.memory_space<hbm>>
      %dma_start3A_36 = arith.constant 0 : i32
      %dma_start3A_37 = tpu.memref_slice %arg3[%mul3A_2, %dma_start3A_36] : memref<2560x128xi32, #tpu.memory_space<hbm>> -> memref<80x128xi32, #tpu.memory_space<hbm>>
      tpu.enqueue_dma source(%dma_start3A_37 : memref<80x128xi32, #tpu.memory_space<hbm>>) target(%arg7 : memref<80x128xi32, #tpu.memory_space<vmem>>) target_semaphore(%run_scoped3A : memref<!tpu.dma_semaphore, #tpu.memory_space<semaphore_mem>>)
      %dma_wait3A = arith.constant 0 : i32
      %dma_wait3A_38 = tpu.memref_slice %arg3[%mul3A_2, %dma_wait3A] : memref<2560x128xi32, #tpu.memory_space<hbm>> -> memref<80x128xi32, #tpu.memory_space<hbm>>
      %dma_wait3A_39 = arith.constant 0 : i32
      %dma_wait3A_40 = tpu.memref_slice %arg3[%mul3A_2, %dma_wait3A_39] : memref<2560x128xi32, #tpu.memory_space<hbm>> -> memref<80x128xi32, #tpu.memory_space<hbm>>
      tpu.wait_dma2 semaphore(%run_scoped3A : memref<!tpu.dma_semaphore, #tpu.memory_space<semaphore_mem>>) src(%dma_wait3A_40 : memref<80x128xi32, #tpu.memory_space<hbm>>) dst(%arg7 : memref<80x128xi32, #tpu.memory_space<vmem>>)
      tpu.yield
    }) : () -> ()
    %mul3A_3 = arith.constant 80 : i32
    %mul3A_4 = arith.muli %add3A, %mul3A_3 : i32
    "tpu.region"() ({
      %run_scoped3A = tpu.sem_alloc : memref<!tpu.dma_semaphore, #tpu.memory_space<semaphore_mem>>
      %dma_start3A_34 = arith.constant 0 : i32
      %dma_start3A_35 = tpu.memref_slice %arg4[%mul3A_4, %dma_start3A_34] : memref<2560x128xi32, #tpu.memory_space<hbm>> -> memref<80x128xi32, #tpu.memory_space<hbm>>
      %dma_start3A_36 = arith.constant 0 : i32
      %dma_start3A_37 = tpu.memref_slice %arg4[%mul3A_4, %dma_start3A_36] : memref<2560x128xi32, #tpu.memory_space<hbm>> -> memref<80x128xi32, #tpu.memory_space<hbm>>
      tpu.enqueue_dma source(%dma_start3A_37 : memref<80x128xi32, #tpu.memory_space<hbm>>) target(%arg8 : memref<80x128xi32, #tpu.memory_space<vmem>>) target_semaphore(%run_scoped3A : memref<!tpu.dma_semaphore, #tpu.memory_space<semaphore_mem>>)
      %dma_wait3A = arith.constant 0 : i32
      %dma_wait3A_38 = tpu.memref_slice %arg4[%mul3A_4, %dma_wait3A] : memref<2560x128xi32, #tpu.memory_space<hbm>> -> memref<80x128xi32, #tpu.memory_space<hbm>>
      %dma_wait3A_39 = arith.constant 0 : i32
      %dma_wait3A_40 = tpu.memref_slice %arg4[%mul3A_4, %dma_wait3A_39] : memref<2560x128xi32, #tpu.memory_space<hbm>> -> memref<80x128xi32, #tpu.memory_space<hbm>>
      tpu.wait_dma2 semaphore(%run_scoped3A : memref<!tpu.dma_semaphore, #tpu.memory_space<semaphore_mem>>) src(%dma_wait3A_40 : memref<80x128xi32, #tpu.memory_space<hbm>>) dst(%arg8 : memref<80x128xi32, #tpu.memory_space<vmem>>)
      tpu.yield
    }) : () -> ()
    %mul3A_5 = arith.constant 640 : i32
    %mul3A_6 = arith.muli %arg1, %mul3A_5 : i32
    %mul3A_7 = arith.constant 640 : i32
    %mul3A_8 = arith.muli %arg1, %mul3A_7 : i32
    "tpu.region"() ({
      %run_scoped3A = tpu.sem_alloc : memref<!tpu.dma_semaphore, #tpu.memory_space<semaphore_mem>>
      %dma_start3A_34 = arith.constant 0 : i32
      %dma_start3A_35 = tpu.memref_slice %arg11[%mul3A_8, %dma_start3A_34] : memref<10240x32xf32, #tpu.memory_space<vmem_shared>> -> memref<640x32xf32, #tpu.memory_space<vmem_shared>>
      %dma_start3A_36 = arith.constant 0 : i32
      %dma_start3A_37 = tpu.memref_slice %arg2[%mul3A_6, %dma_start3A_36] : memref<10240x32xf32, #tpu.memory_space<hbm>> -> memref<640x32xf32, #tpu.memory_space<hbm>>
      tpu.enqueue_dma source(%dma_start3A_37 : memref<640x32xf32, #tpu.memory_space<hbm>>) target(%dma_start3A_35 : memref<640x32xf32, #tpu.memory_space<vmem_shared>>) target_semaphore(%run_scoped3A : memref<!tpu.dma_semaphore, #tpu.memory_space<semaphore_mem>>)
      %dma_wait3A = arith.constant 0 : i32
      %dma_wait3A_38 = tpu.memref_slice %arg11[%mul3A_8, %dma_wait3A] : memref<10240x32xf32, #tpu.memory_space<vmem_shared>> -> memref<640x32xf32, #tpu.memory_space<vmem_shared>>
      %dma_wait3A_39 = arith.constant 0 : i32
      %dma_wait3A_40 = tpu.memref_slice %arg2[%mul3A_6, %dma_wait3A_39] : memref<10240x32xf32, #tpu.memory_space<hbm>> -> memref<640x32xf32, #tpu.memory_space<hbm>>
      tpu.wait_dma2 semaphore(%run_scoped3A : memref<!tpu.dma_semaphore, #tpu.memory_space<semaphore_mem>>) src(%dma_wait3A_40 : memref<640x32xf32, #tpu.memory_space<hbm>>) dst(%dma_wait3A_38 : memref<640x32xf32, #tpu.memory_space<vmem_shared>>)
      tpu.yield
    }) : () -> ()
    %mul3A_9 = arith.constant 640 : i32
    %mul3A_10 = arith.muli %arg1, %mul3A_9 : i32
    %mul3A_11 = arith.constant 640 : i32
    %mul3A_12 = arith.muli %arg1, %mul3A_11 : i32
    "tpu.region"() ({
      %run_scoped3A = tpu.sem_alloc : memref<!tpu.dma_semaphore, #tpu.memory_space<semaphore_mem>>
      %dma_start3A_34 = arith.constant 0 : i32
      %dma_start3A_35 = tpu.memref_slice %arg10[%mul3A_12, %dma_start3A_34] : memref<10240x32xf32, #tpu.memory_space<vmem_shared>> -> memref<640x32xf32, #tpu.memory_space<vmem_shared>>
      %dma_start3A_36 = arith.constant 0 : i32
      %dma_start3A_37 = tpu.memref_slice %arg5[%mul3A_10, %dma_start3A_36] : memref<10240x32xf32, #tpu.memory_space<hbm>> -> memref<640x32xf32, #tpu.memory_space<hbm>>
      tpu.enqueue_dma source(%dma_start3A_37 : memref<640x32xf32, #tpu.memory_space<hbm>>) target(%dma_start3A_35 : memref<640x32xf32, #tpu.memory_space<vmem_shared>>) target_semaphore(%run_scoped3A : memref<!tpu.dma_semaphore, #tpu.memory_space<semaphore_mem>>)
      %dma_wait3A = arith.constant 0 : i32
      %dma_wait3A_38 = tpu.memref_slice %arg10[%mul3A_12, %dma_wait3A] : memref<10240x32xf32, #tpu.memory_space<vmem_shared>> -> memref<640x32xf32, #tpu.memory_space<vmem_shared>>
      %dma_wait3A_39 = arith.constant 0 : i32
      %dma_wait3A_40 = tpu.memref_slice %arg5[%mul3A_10, %dma_wait3A_39] : memref<10240x32xf32, #tpu.memory_space<hbm>> -> memref<640x32xf32, #tpu.memory_space<hbm>>
      tpu.wait_dma2 semaphore(%run_scoped3A : memref<!tpu.dma_semaphore, #tpu.memory_space<semaphore_mem>>) src(%dma_wait3A_40 : memref<640x32xf32, #tpu.memory_space<hbm>>) dst(%dma_wait3A_38 : memref<640x32xf32, #tpu.memory_space<vmem_shared>>)
      tpu.yield
    }) : () -> ()
    %barrier3A = arith.constant 0 : index
    tpu.barrier barrier_id(%barrier3A)
    %dma_start3A = arith.constant 0 : i32
    %dma_start3A_13 = arith.constant 0 : i32
    %dma_start3A_14 = arith.constant 0 : i32
    %dma_start3A_15 = arith.constant 0 : i32
    %dma_start3A_16 = tpu.memref_slice %arg9[%dma_start3A_13, %dma_start3A_14, %dma_start3A_15] : memref<2x128x32xf32, #tpu.memory_space<vmem>> -> memref<1x128x32xf32, #tpu.memory_space<vmem>>
    %dma_start3A_17 = tpu.memref_squeeze %dma_start3A_16 : memref<1x128x32xf32, #tpu.memory_space<vmem>> -> memref<128x32xf32, #tpu.memory_space<vmem>>
    %dma_start3A_18 = arith.constant 0 : i32
    %dma_start3A_19 = tpu.memref_slice %arg7[%dma_start3A, %dma_start3A_18] : memref<80x128xi32, #tpu.memory_space<vmem>> -> memref<1x128xi32, #tpu.memory_space<vmem>>
    %dma_start3A_20 = tpu.memref_squeeze %dma_start3A_19 : memref<1x128xi32, #tpu.memory_space<vmem>> -> memref<128xi32, #tpu.memory_space<vmem>>
    %dma_start3A_21 = arith.constant 0 : i32
    %dma_start3A_22 = arith.constant 0 : i32
    %dma_start3A_23 = tpu.memref_slice %arg11[%dma_start3A_21, %dma_start3A_22] : memref<10240x32xf32, #tpu.memory_space<vmem_shared>> -> memref<10240x32xf32, #tpu.memory_space<vmem_shared>>
    tpu.enqueue_indirect_dma source(%dma_start3A_23 : memref<10240x32xf32, #tpu.memory_space<vmem_shared>>) target(%dma_start3A_17 : memref<128x32xf32, #tpu.memory_space<vmem>>) offsets(%dma_start3A_20 : memref<128xi32, #tpu.memory_space<vmem>>) semaphore(%arg12 : memref<!tpu.dma_semaphore, #tpu.memory_space<semaphore_mem>>)
    %scan3A = arith.constant 0 : i32
    %scan3A_24 = arith.constant 0 : i32
    %scan3A_25 = arith.constant 40 : i32
    %scan3A_26 = arith.addi %scan3A_24, %scan3A_25 : i32
    %scan3A_27 = arith.constant 1 : i32
    scf.for %scan3A_34 = %scan3A_24 to %scan3A_26 step %scan3A_27  : i32 {
      %mul3A_35 = arith.constant 2 : i32
      %mul3A_36 = arith.muli %mul3A_35, %scan3A_34 : i32
      %add3A_37 = arith.constant 0 : i32
      %add3A_38 = arith.addi %mul3A_36, %add3A_37 : i32
      %dma_wait3A = arith.constant 0 : i32
      %dma_wait3A_39 = arith.constant 0 : i32
      %dma_wait3A_40 = arith.constant 0 : i32
      %dma_wait3A_41 = tpu.memref_slice %arg9[%dma_wait3A, %dma_wait3A_39, %dma_wait3A_40] : memref<2x128x32xf32, #tpu.memory_space<vmem>> -> memref<1x128x32xf32, #tpu.memory_space<vmem>>
      %dma_wait3A_42 = tpu.memref_squeeze %dma_wait3A_41 : memref<1x128x32xf32, #tpu.memory_space<vmem>> -> memref<128x32xf32, #tpu.memory_space<vmem>>
      %dma_wait3A_43 = arith.constant 0 : i32
      %dma_wait3A_44 = tpu.memref_slice %arg7[%add3A_38, %dma_wait3A_43] : memref<80x128xi32, #tpu.memory_space<vmem>> -> memref<1x128xi32, #tpu.memory_space<vmem>>
      %dma_wait3A_45 = tpu.memref_squeeze %dma_wait3A_44 : memref<1x128xi32, #tpu.memory_space<vmem>> -> memref<128xi32, #tpu.memory_space<vmem>>
      %dma_wait3A_46 = arith.constant 0 : i32
      %dma_wait3A_47 = arith.constant 0 : i32
      %dma_wait3A_48 = tpu.memref_slice %arg11[%dma_wait3A_46, %dma_wait3A_47] : memref<10240x32xf32, #tpu.memory_space<vmem_shared>> -> memref<10240x32xf32, #tpu.memory_space<vmem_shared>>
      tpu.wait_indirect_dma semaphore(%arg12 : memref<!tpu.dma_semaphore, #tpu.memory_space<semaphore_mem>>) src(%dma_wait3A_48 : memref<10240x32xf32, #tpu.memory_space<vmem_shared>>) dst(%dma_wait3A_42 : memref<128x32xf32, #tpu.memory_space<vmem>>)
      %add3A_49 = arith.constant 1 : i32
      %add3A_50 = arith.addi %add3A_38, %add3A_49 : i32
      %lt3A = arith.constant 80 : i32
      %lt3A_51 = arith.cmpi slt, %add3A_50, %lt3A : i32
      %convert_element_type3A = arith.extui %lt3A_51 : i1 to i32
      %cond3A = arith.constant 0 : i32
      %cond3A_52 = arith.cmpi ne, %convert_element_type3A, %cond3A : i32
      scf.if %cond3A_52 {
        %add3A_74 = arith.constant 1 : i32
        %add3A_75 = arith.addi %add3A_38, %add3A_74 : i32
        %dma_start3A_76 = arith.constant 1 : i32
        %dma_start3A_77 = arith.constant 0 : i32
        %dma_start3A_78 = arith.constant 0 : i32
        %dma_start3A_79 = tpu.memref_slice %arg9[%dma_start3A_76, %dma_start3A_77, %dma_start3A_78] : memref<2x128x32xf32, #tpu.memory_space<vmem>> -> memref<1x128x32xf32, #tpu.memory_space<vmem>>
        %dma_start3A_80 = tpu.memref_squeeze %dma_start3A_79 : memref<1x128x32xf32, #tpu.memory_space<vmem>> -> memref<128x32xf32, #tpu.memory_space<vmem>>
        %dma_start3A_81 = arith.constant 0 : i32
        %dma_start3A_82 = tpu.memref_slice %arg7[%add3A_75, %dma_start3A_81] : memref<80x128xi32, #tpu.memory_space<vmem>> -> memref<1x128xi32, #tpu.memory_space<vmem>>
        %dma_start3A_83 = tpu.memref_squeeze %dma_start3A_82 : memref<1x128xi32, #tpu.memory_space<vmem>> -> memref<128xi32, #tpu.memory_space<vmem>>
        %dma_start3A_84 = arith.constant 0 : i32
        %dma_start3A_85 = arith.constant 0 : i32
        %dma_start3A_86 = tpu.memref_slice %arg11[%dma_start3A_84, %dma_start3A_85] : memref<10240x32xf32, #tpu.memory_space<vmem_shared>> -> memref<10240x32xf32, #tpu.memory_space<vmem_shared>>
        tpu.enqueue_indirect_dma source(%dma_start3A_86 : memref<10240x32xf32, #tpu.memory_space<vmem_shared>>) target(%dma_start3A_80 : memref<128x32xf32, #tpu.memory_space<vmem>>) offsets(%dma_start3A_83 : memref<128xi32, #tpu.memory_space<vmem>>) semaphore(%arg12 : memref<!tpu.dma_semaphore, #tpu.memory_space<semaphore_mem>>)
      } else {
      }
      %run_scoped3A = arith.constant 0 : i32
      "tpu.region"() ({
        %run_scoped3A_74 = tpu.sem_alloc : memref<!tpu.dma_semaphore, #tpu.memory_space<semaphore_mem>>
        %dma_start3A_75 = arith.constant 0 : i32
        %dma_start3A_76 = arith.constant 0 : i32
        %dma_start3A_77 = tpu.memref_slice %arg9[%run_scoped3A, %dma_start3A_75, %dma_start3A_76] : memref<2x128x32xf32, #tpu.memory_space<vmem>> -> memref<1x128x32xf32, #tpu.memory_space<vmem>>
        %dma_start3A_78 = tpu.memref_squeeze %dma_start3A_77 : memref<1x128x32xf32, #tpu.memory_space<vmem>> -> memref<128x32xf32, #tpu.memory_space<vmem>>
        %dma_start3A_79 = arith.constant 0 : i32
        %dma_start3A_80 = tpu.memref_slice %arg8[%add3A_38, %dma_start3A_79] : memref<80x128xi32, #tpu.memory_space<vmem>> -> memref<1x128xi32, #tpu.memory_space<vmem>>
        %dma_start3A_81 = tpu.memref_squeeze %dma_start3A_80 : memref<1x128xi32, #tpu.memory_space<vmem>> -> memref<128xi32, #tpu.memory_space<vmem>>
        %dma_start3A_82 = arith.constant 0 : i32
        %dma_start3A_83 = arith.constant 0 : i32
        %dma_start3A_84 = tpu.memref_slice %arg10[%dma_start3A_82, %dma_start3A_83] : memref<10240x32xf32, #tpu.memory_space<vmem_shared>> -> memref<10240x32xf32, #tpu.memory_space<vmem_shared>>
        tpu.enqueue_indirect_dma source(%dma_start3A_78 : memref<128x32xf32, #tpu.memory_space<vmem>>) target(%dma_start3A_84 : memref<10240x32xf32, #tpu.memory_space<vmem_shared>>) offsets(%dma_start3A_81 : memref<128xi32, #tpu.memory_space<vmem>>) semaphore(%run_scoped3A_74 : memref<!tpu.dma_semaphore, #tpu.memory_space<semaphore_mem>>) {add = true}
        %dma_wait3A_85 = arith.constant 0 : i32
        %dma_wait3A_86 = arith.constant 0 : i32
        %dma_wait3A_87 = tpu.memref_slice %arg9[%run_scoped3A, %dma_wait3A_85, %dma_wait3A_86] : memref<2x128x32xf32, #tpu.memory_space<vmem>> -> memref<1x128x32xf32, #tpu.memory_space<vmem>>
        %dma_wait3A_88 = tpu.memref_squeeze %dma_wait3A_87 : memref<1x128x32xf32, #tpu.memory_space<vmem>> -> memref<128x32xf32, #tpu.memory_space<vmem>>
        %dma_wait3A_89 = arith.constant 0 : i32
        %dma_wait3A_90 = tpu.memref_slice %arg8[%add3A_38, %dma_wait3A_89] : memref<80x128xi32, #tpu.memory_space<vmem>> -> memref<1x128xi32, #tpu.memory_space<vmem>>
        %dma_wait3A_91 = tpu.memref_squeeze %dma_wait3A_90 : memref<1x128xi32, #tpu.memory_space<vmem>> -> memref<128xi32, #tpu.memory_space<vmem>>
        %dma_wait3A_92 = arith.constant 0 : i32
        %dma_wait3A_93 = arith.constant 0 : i32
        %dma_wait3A_94 = tpu.memref_slice %arg10[%dma_wait3A_92, %dma_wait3A_93] : memref<10240x32xf32, #tpu.memory_space<vmem_shared>> -> memref<10240x32xf32, #tpu.memory_space<vmem_shared>>
        tpu.wait_indirect_dma semaphore(%run_scoped3A_74 : memref<!tpu.dma_semaphore, #tpu.memory_space<semaphore_mem>>) src(%dma_wait3A_88 : memref<128x32xf32, #tpu.memory_space<vmem>>) dst(%dma_wait3A_94 : memref<10240x32xf32, #tpu.memory_space<vmem_shared>>)
        tpu.yield
      }) : () -> ()
      %add3A_53 = arith.constant 1 : i32
      %add3A_54 = arith.addi %mul3A_36, %add3A_53 : i32
      %dma_wait3A_55 = arith.constant 1 : i32
      %dma_wait3A_56 = arith.constant 0 : i32
      %dma_wait3A_57 = arith.constant 0 : i32
      %dma_wait3A_58 = tpu.memref_slice %arg9[%dma_wait3A_55, %dma_wait3A_56, %dma_wait3A_57] : memref<2x128x32xf32, #tpu.memory_space<vmem>> -> memref<1x128x32xf32, #tpu.memory_space<vmem>>
      %dma_wait3A_59 = tpu.memref_squeeze %dma_wait3A_58 : memref<1x128x32xf32, #tpu.memory_space<vmem>> -> memref<128x32xf32, #tpu.memory_space<vmem>>
      %dma_wait3A_60 = arith.constant 0 : i32
      %dma_wait3A_61 = tpu.memref_slice %arg7[%add3A_54, %dma_wait3A_60] : memref<80x128xi32, #tpu.memory_space<vmem>> -> memref<1x128xi32, #tpu.memory_space<vmem>>
      %dma_wait3A_62 = tpu.memref_squeeze %dma_wait3A_61 : memref<1x128xi32, #tpu.memory_space<vmem>> -> memref<128xi32, #tpu.memory_space<vmem>>
      %dma_wait3A_63 = arith.constant 0 : i32
      %dma_wait3A_64 = arith.constant 0 : i32
      %dma_wait3A_65 = tpu.memref_slice %arg11[%dma_wait3A_63, %dma_wait3A_64] : memref<10240x32xf32, #tpu.memory_space<vmem_shared>> -> memref<10240x32xf32, #tpu.memory_space<vmem_shared>>
      tpu.wait_indirect_dma semaphore(%arg12 : memref<!tpu.dma_semaphore, #tpu.memory_space<semaphore_mem>>) src(%dma_wait3A_65 : memref<10240x32xf32, #tpu.memory_space<vmem_shared>>) dst(%dma_wait3A_59 : memref<128x32xf32, #tpu.memory_space<vmem>>)
      %add3A_66 = arith.constant 1 : i32
      %add3A_67 = arith.addi %add3A_54, %add3A_66 : i32
      %lt3A_68 = arith.constant 80 : i32
      %lt3A_69 = arith.cmpi slt, %add3A_67, %lt3A_68 : i32
      %convert_element_type3A_70 = arith.extui %lt3A_69 : i1 to i32
      %cond3A_71 = arith.constant 0 : i32
      %cond3A_72 = arith.cmpi ne, %convert_element_type3A_70, %cond3A_71 : i32
      scf.if %cond3A_72 {
        %add3A_74 = arith.constant 1 : i32
        %add3A_75 = arith.addi %add3A_54, %add3A_74 : i32
        %dma_start3A_76 = arith.constant 0 : i32
        %dma_start3A_77 = arith.constant 0 : i32
        %dma_start3A_78 = arith.constant 0 : i32
        %dma_start3A_79 = tpu.memref_slice %arg9[%dma_start3A_76, %dma_start3A_77, %dma_start3A_78] : memref<2x128x32xf32, #tpu.memory_space<vmem>> -> memref<1x128x32xf32, #tpu.memory_space<vmem>>
        %dma_start3A_80 = tpu.memref_squeeze %dma_start3A_79 : memref<1x128x32xf32, #tpu.memory_space<vmem>> -> memref<128x32xf32, #tpu.memory_space<vmem>>
        %dma_start3A_81 = arith.constant 0 : i32
        %dma_start3A_82 = tpu.memref_slice %arg7[%add3A_75, %dma_start3A_81] : memref<80x128xi32, #tpu.memory_space<vmem>> -> memref<1x128xi32, #tpu.memory_space<vmem>>
        %dma_start3A_83 = tpu.memref_squeeze %dma_start3A_82 : memref<1x128xi32, #tpu.memory_space<vmem>> -> memref<128xi32, #tpu.memory_space<vmem>>
        %dma_start3A_84 = arith.constant 0 : i32
        %dma_start3A_85 = arith.constant 0 : i32
        %dma_start3A_86 = tpu.memref_slice %arg11[%dma_start3A_84, %dma_start3A_85] : memref<10240x32xf32, #tpu.memory_space<vmem_shared>> -> memref<10240x32xf32, #tpu.memory_space<vmem_shared>>
        tpu.enqueue_indirect_dma source(%dma_start3A_86 : memref<10240x32xf32, #tpu.memory_space<vmem_shared>>) target(%dma_start3A_80 : memref<128x32xf32, #tpu.memory_space<vmem>>) offsets(%dma_start3A_83 : memref<128xi32, #tpu.memory_space<vmem>>) semaphore(%arg12 : memref<!tpu.dma_semaphore, #tpu.memory_space<semaphore_mem>>)
      } else {
      }
      %run_scoped3A_73 = arith.constant 1 : i32
      "tpu.region"() ({
        %run_scoped3A_74 = tpu.sem_alloc : memref<!tpu.dma_semaphore, #tpu.memory_space<semaphore_mem>>
        %dma_start3A_75 = arith.constant 0 : i32
        %dma_start3A_76 = arith.constant 0 : i32
        %dma_start3A_77 = tpu.memref_slice %arg9[%run_scoped3A_73, %dma_start3A_75, %dma_start3A_76] : memref<2x128x32xf32, #tpu.memory_space<vmem>> -> memref<1x128x32xf32, #tpu.memory_space<vmem>>
        %dma_start3A_78 = tpu.memref_squeeze %dma_start3A_77 : memref<1x128x32xf32, #tpu.memory_space<vmem>> -> memref<128x32xf32, #tpu.memory_space<vmem>>
        %dma_start3A_79 = arith.constant 0 : i32
        %dma_start3A_80 = tpu.memref_slice %arg8[%add3A_54, %dma_start3A_79] : memref<80x128xi32, #tpu.memory_space<vmem>> -> memref<1x128xi32, #tpu.memory_space<vmem>>
        %dma_start3A_81 = tpu.memref_squeeze %dma_start3A_80 : memref<1x128xi32, #tpu.memory_space<vmem>> -> memref<128xi32, #tpu.memory_space<vmem>>
        %dma_start3A_82 = arith.constant 0 : i32
        %dma_start3A_83 = arith.constant 0 : i32
        %dma_start3A_84 = tpu.memref_slice %arg10[%dma_start3A_82, %dma_start3A_83] : memref<10240x32xf32, #tpu.memory_space<vmem_shared>> -> memref<10240x32xf32, #tpu.memory_space<vmem_shared>>
        tpu.enqueue_indirect_dma source(%dma_start3A_78 : memref<128x32xf32, #tpu.memory_space<vmem>>) target(%dma_start3A_84 : memref<10240x32xf32, #tpu.memory_space<vmem_shared>>) offsets(%dma_start3A_81 : memref<128xi32, #tpu.memory_space<vmem>>) semaphore(%run_scoped3A_74 : memref<!tpu.dma_semaphore, #tpu.memory_space<semaphore_mem>>) {add = true}
        %dma_wait3A_85 = arith.constant 0 : i32
        %dma_wait3A_86 = arith.constant 0 : i32
        %dma_wait3A_87 = tpu.memref_slice %arg9[%run_scoped3A_73, %dma_wait3A_85, %dma_wait3A_86] : memref<2x128x32xf32, #tpu.memory_space<vmem>> -> memref<1x128x32xf32, #tpu.memory_space<vmem>>
        %dma_wait3A_88 = tpu.memref_squeeze %dma_wait3A_87 : memref<1x128x32xf32, #tpu.memory_space<vmem>> -> memref<128x32xf32, #tpu.memory_space<vmem>>
        %dma_wait3A_89 = arith.constant 0 : i32
        %dma_wait3A_90 = tpu.memref_slice %arg8[%add3A_54, %dma_wait3A_89] : memref<80x128xi32, #tpu.memory_space<vmem>> -> memref<1x128xi32, #tpu.memory_space<vmem>>
        %dma_wait3A_91 = tpu.memref_squeeze %dma_wait3A_90 : memref<1x128xi32, #tpu.memory_space<vmem>> -> memref<128xi32, #tpu.memory_space<vmem>>
        %dma_wait3A_92 = arith.constant 0 : i32
        %dma_wait3A_93 = arith.constant 0 : i32
        %dma_wait3A_94 = tpu.memref_slice %arg10[%dma_wait3A_92, %dma_wait3A_93] : memref<10240x32xf32, #tpu.memory_space<vmem_shared>> -> memref<10240x32xf32, #tpu.memory_space<vmem_shared>>
        tpu.wait_indirect_dma semaphore(%run_scoped3A_74 : memref<!tpu.dma_semaphore, #tpu.memory_space<semaphore_mem>>) src(%dma_wait3A_88 : memref<128x32xf32, #tpu.memory_space<vmem>>) dst(%dma_wait3A_94 : memref<10240x32xf32, #tpu.memory_space<vmem_shared>>)
        tpu.yield
      }) : () -> ()
    }
    %scan3A_28 = arith.constant 40 : i32
    %barrier3A_29 = arith.constant 0 : index
    tpu.barrier barrier_id(%barrier3A_29)
    %mul3A_30 = arith.constant 640 : i32
    %mul3A_31 = arith.muli %arg1, %mul3A_30 : i32
    %mul3A_32 = arith.constant 640 : i32
    %mul3A_33 = arith.muli %arg1, %mul3A_32 : i32
    "tpu.region"() ({
      %run_scoped3A = tpu.sem_alloc : memref<!tpu.dma_semaphore, #tpu.memory_space<semaphore_mem>>
      %dma_start3A_34 = arith.constant 0 : i32
      %dma_start3A_35 = tpu.memref_slice %arg6[%arg0, %mul3A_33, %dma_start3A_34] : memref<2x10240x32xf32, #tpu.memory_space<hbm>> -> memref<1x640x32xf32, #tpu.memory_space<hbm>>
      %dma_start3A_36 = tpu.memref_squeeze %dma_start3A_35 : memref<1x640x32xf32, #tpu.memory_space<hbm>> -> memref<640x32xf32, #tpu.memory_space<hbm>>
      %dma_start3A_37 = arith.constant 0 : i32
      %dma_start3A_38 = tpu.memref_slice %arg10[%mul3A_31, %dma_start3A_37] : memref<10240x32xf32, #tpu.memory_space<vmem_shared>> -> memref<640x32xf32, #tpu.memory_space<vmem_shared>>
      tpu.enqueue_dma source(%dma_start3A_38 : memref<640x32xf32, #tpu.memory_space<vmem_shared>>) target(%dma_start3A_36 : memref<640x32xf32, #tpu.memory_space<hbm>>) target_semaphore(%run_scoped3A : memref<!tpu.dma_semaphore, #tpu.memory_space<semaphore_mem>>)
      %dma_wait3A = arith.constant 0 : i32
      %dma_wait3A_39 = tpu.memref_slice %arg6[%arg0, %mul3A_33, %dma_wait3A] : memref<2x10240x32xf32, #tpu.memory_space<hbm>> -> memref<1x640x32xf32, #tpu.memory_space<hbm>>
      %dma_wait3A_40 = tpu.memref_squeeze %dma_wait3A_39 : memref<1x640x32xf32, #tpu.memory_space<hbm>> -> memref<640x32xf32, #tpu.memory_space<hbm>>
      %dma_wait3A_41 = arith.constant 0 : i32
      %dma_wait3A_42 = tpu.memref_slice %arg10[%mul3A_31, %dma_wait3A_41] : memref<10240x32xf32, #tpu.memory_space<vmem_shared>> -> memref<640x32xf32, #tpu.memory_space<vmem_shared>>
      tpu.wait_dma2 semaphore(%run_scoped3A : memref<!tpu.dma_semaphore, #tpu.memory_space<semaphore_mem>>) src(%dma_wait3A_42 : memref<640x32xf32, #tpu.memory_space<vmem_shared>>) dst(%dma_wait3A_40 : memref<640x32xf32, #tpu.memory_space<hbm>>)
      tpu.yield
    }) : () -> ()
    return
  }
}

module attributes {stable_mosaic.version = 14 : i64} {
  func.func @body(%arg0: i32, %arg1: memref<2x512x16xf32, #tpu.memory_space<vmem>>, %arg2: memref<512x128xf32, #tpu.memory_space<vmem>>, %arg3: memref<128x64xf32, #tpu.memory_space<vmem>>, %arg4: memref<512x64xf32, #tpu.memory_space<vmem>>, %arg5: memref<512x8xf32, #tpu.memory_space<vmem>>, %arg6: memref<512x8xf32, #tpu.memory_space<vmem>>) attributes {dimension_semantics = [#tpu.dimension_semantics<arbitrary>], iteration_bounds = array<i64: 20>, scalar_prefetch = 0 : i64, scratch_operands = 0 : i64, tpu.core_type = #tpu.core_type<tc>, window_params = [{transform_indices = @transform_0, window_bounds = array<i64: 2, 512, 16>}, {transform_indices = @transform_1, window_bounds = array<i64: 512, 128>}, {pipeline_mode = #tpu.pipeline_mode<synchronous>, transform_indices = @transform_2, window_bounds = array<i64: 128, 64>}, {transform_indices = @transform_3, window_bounds = array<i64: 512, 64>}, {transform_indices = @transform_4, window_bounds = array<i64: 512, 8>}, {transform_indices = @transform_5, window_bounds = array<i64: 512, 8>}]} {
    %get3A = arith.constant 0 : index
    %get3A_0 = arith.constant 0 : index
    %get3A_1 = arith.constant 0 : index
    %get3A_2 = vector.load %arg1[%get3A, %get3A_0, %get3A_1] : memref<2x512x16xf32, #tpu.memory_space<vmem>>, vector<1x512x1xf32>
    %get3A_3 = vector.shape_cast %get3A_2 : vector<1x512x1xf32> to vector<512x1xf32>
    %get3A_4 = arith.constant 1 : index
    %get3A_5 = arith.constant 0 : index
    %get3A_6 = arith.constant 0 : index
    %get3A_7 = vector.load %arg1[%get3A_4, %get3A_5, %get3A_6] : memref<2x512x16xf32, #tpu.memory_space<vmem>>, vector<1x512x1xf32>
    %get3A_8 = vector.shape_cast %get3A_7 : vector<1x512x1xf32> to vector<512x1xf32>
    %add3A = arith.addf %get3A_3, %get3A_8 : vector<512x1xf32>
    %add3A_9 = arith.constant 1.000000e+00 : f32
    %add3A_10 = vector.broadcast %add3A_9 : f32 to vector<512x1xf32>
    %add3A_11 = arith.addf %add3A, %add3A_10 : vector<512x1xf32>
    %rsqrt3A = math.rsqrt %add3A_11 : vector<512x1xf32>
    %iota3A = tpu.iota {dimensions = array<i32: 0>} : vector<512x1xi32>
    %mul3A = arith.constant 512 : i32
    %mul3A_12 = arith.muli %arg0, %mul3A : i32
    %add3A_13 = vector.broadcast %mul3A_12 : i32 to vector<512x1xi32>
    %add3A_14 = arith.addi %iota3A, %add3A_13 : vector<512x1xi32>
    %lt3A = arith.constant 10000 : i32
    %lt3A_15 = vector.broadcast %lt3A : i32 to vector<512x1xi32>
    %lt3A_16 = arith.cmpi slt, %add3A_14, %lt3A_15 : vector<512x1xi32>
    %jit3A = arith.constant 0.000000e+00 : f32
    %broadcast_in_dim3A = vector.broadcast %jit3A : f32 to vector<512x1xf32>
    %select_n3A = arith.select %lt3A_16, %rsqrt3A, %broadcast_in_dim3A : vector<512x1xi1>, vector<512x1xf32>
    %get3A_17 = arith.constant 0 : index
    %get3A_18 = arith.constant 0 : index
    %get3A_19 = vector.load %arg2[%get3A_17, %get3A_18] : memref<512x128xf32, #tpu.memory_space<vmem>>, vector<512x128xf32>
    %get3A_20 = arith.constant 0 : index
    %get3A_21 = arith.constant 0 : index
    %get3A_22 = vector.load %arg3[%get3A_20, %get3A_21] : memref<128x64xf32, #tpu.memory_space<vmem>>, vector<128x64xf32>
    %dot_general3A = arith.constant dense<0.000000e+00> : vector<512x64xf32>
    %dot_general3A_23 = tpu.matmul %get3A_19, %get3A_22, %dot_general3A {dimension_numbers = #tpu.dot_dimension_numbers<[1], [0], [0], [1], [0, 0, 1, 1], [], []>, precision = #tpu.contract_precision<fp32>, transpose_lhs_hint = false} : vector<512x128xf32>, vector<128x64xf32>, vector<512x64xf32> -> vector<512x64xf32>
    %mul3A_24 = vector.broadcast %select_n3A : vector<512x1xf32> to vector<512x64xf32>
    %mul3A_25 = arith.mulf %dot_general3A_23, %mul3A_24 : vector<512x64xf32>
    %swap3A = arith.constant 0 : index
    %swap3A_26 = arith.constant 0 : index
    %swap3A_27 = vector.load %arg4[%swap3A, %swap3A_26] : memref<512x64xf32, #tpu.memory_space<vmem>>, vector<512x64xf32>
    tpu.vector_store %arg4[%swap3A, %swap3A_26], %mul3A_25 {strides = array<i32>} : memref<512x64xf32, #tpu.memory_space<vmem>>, vector<512x64xf32>,
    %broadcast_in_dim3A_28 = vector.shape_cast %rsqrt3A : vector<512x1xf32> to vector<512x1xf32>
    %broadcast_in_dim3A_29 = vector.broadcast %broadcast_in_dim3A_28 : vector<512x1xf32> to vector<512x8xf32>
    %swap3A_30 = arith.constant 0 : index
    %swap3A_31 = arith.constant 0 : index
    %swap3A_32 = vector.load %arg5[%swap3A_30, %swap3A_31] : memref<512x8xf32, #tpu.memory_space<vmem>>, vector<512x8xf32>
    tpu.vector_store %arg5[%swap3A_30, %swap3A_31], %broadcast_in_dim3A_29 {strides = array<i32>} : memref<512x8xf32, #tpu.memory_space<vmem>>, vector<512x8xf32>,
    %broadcast_in_dim3A_33 = vector.shape_cast %select_n3A : vector<512x1xf32> to vector<512x1xf32>
    %broadcast_in_dim3A_34 = vector.broadcast %broadcast_in_dim3A_33 : vector<512x1xf32> to vector<512x8xf32>
    %swap3A_35 = arith.constant 0 : index
    %swap3A_36 = arith.constant 0 : index
    %swap3A_37 = vector.load %arg6[%swap3A_35, %swap3A_36] : memref<512x8xf32, #tpu.memory_space<vmem>>, vector<512x8xf32>
    tpu.vector_store %arg6[%swap3A_35, %swap3A_36], %broadcast_in_dim3A_34 {strides = array<i32>} : memref<512x8xf32, #tpu.memory_space<vmem>>, vector<512x8xf32>,
    return
  }
  func.func @transform_0(%arg0: i32) -> (i32, i32, i32) {
    %c0_i32 = arith.constant 0 : i32
    %c0_i32_0 = arith.constant 0 : i32
    %c0_i32_1 = arith.constant 0 : i32
    return %c0_i32, %arg0, %c0_i32_0 : i32, i32, i32
  }
  func.func @transform_1(%arg0: i32) -> (i32, i32) {
    %c0_i32 = arith.constant 0 : i32
    %c0_i32_0 = arith.constant 0 : i32
    return %arg0, %c0_i32 : i32, i32
  }
  func.func @transform_2(%arg0: i32) -> (i32, i32) {
    %c0_i32 = arith.constant 0 : i32
    %c0_i32_0 = arith.constant 0 : i32
    %c0_i32_1 = arith.constant 0 : i32
    return %c0_i32, %c0_i32_0 : i32, i32
  }
  func.func @transform_3(%arg0: i32) -> (i32, i32) {
    %c0_i32 = arith.constant 0 : i32
    %c0_i32_0 = arith.constant 0 : i32
    return %arg0, %c0_i32 : i32, i32
  }
  func.func @transform_4(%arg0: i32) -> (i32, i32) {
    %c0_i32 = arith.constant 0 : i32
    %c0_i32_0 = arith.constant 0 : i32
    return %arg0, %c0_i32 : i32, i32
  }
  func.func @transform_5(%arg0: i32) -> (i32, i32) {
    %c0_i32 = arith.constant 0 : i32
    %c0_i32_0 = arith.constant 0 : i32
    return %arg0, %c0_i32 : i32, i32
  }
}

module attributes {stable_mosaic.version = 14 : i64} {
  func.func @body(%arg0: i32, %arg1: memref<2x512x64xf32, #tpu.memory_space<vmem>>, %arg2: memref<512x64xf32, #tpu.memory_space<vmem>>, %arg3: memref<512x8xf32, #tpu.memory_space<vmem>>, %arg4: memref<512x8xf32, #tpu.memory_space<vmem>>, %arg5: memref<1x64xf32, #tpu.memory_space<vmem>>, %arg6: memref<64x64xf32, #tpu.memory_space<vmem>>, %arg7: memref<512x64xf32, #tpu.memory_space<vmem>>) attributes {dimension_semantics = [#tpu.dimension_semantics<arbitrary>], iteration_bounds = array<i64: 20>, scalar_prefetch = 0 : i64, scratch_operands = 0 : i64, tpu.core_type = #tpu.core_type<tc>, window_params = [{transform_indices = @transform_0, window_bounds = array<i64: 2, 512, 64>}, {transform_indices = @transform_1, window_bounds = array<i64: 512, 64>}, {transform_indices = @transform_2, window_bounds = array<i64: 512, 8>}, {transform_indices = @transform_3, window_bounds = array<i64: 512, 8>}, {pipeline_mode = #tpu.pipeline_mode<synchronous>, transform_indices = @transform_4, window_bounds = array<i64: 1, 64>}, {pipeline_mode = #tpu.pipeline_mode<synchronous>, transform_indices = @transform_5, window_bounds = array<i64: 64, 64>}, {transform_indices = @transform_6, window_bounds = array<i64: 512, 64>}]} {
    %get3A = arith.constant 0 : index
    %get3A_0 = arith.constant 0 : index
    %get3A_1 = arith.constant 0 : index
    %get3A_2 = vector.load %arg1[%get3A, %get3A_0, %get3A_1] : memref<2x512x64xf32, #tpu.memory_space<vmem>>, vector<1x512x64xf32>
    %get3A_3 = vector.shape_cast %get3A_2 : vector<1x512x64xf32> to vector<512x64xf32>
    %get3A_4 = arith.constant 1 : index
    %get3A_5 = arith.constant 0 : index
    %get3A_6 = arith.constant 0 : index
    %get3A_7 = vector.load %arg1[%get3A_4, %get3A_5, %get3A_6] : memref<2x512x64xf32, #tpu.memory_space<vmem>>, vector<1x512x64xf32>
    %get3A_8 = vector.shape_cast %get3A_7 : vector<1x512x64xf32> to vector<512x64xf32>
    %add3A = arith.addf %get3A_3, %get3A_8 : vector<512x64xf32>
    %get3A_9 = arith.constant 0 : index
    %get3A_10 = arith.constant 0 : index
    %get3A_11 = vector.load %arg2[%get3A_9, %get3A_10] : memref<512x64xf32, #tpu.memory_space<vmem>>, vector<512x64xf32>
    %add3A_12 = arith.addf %add3A, %get3A_11 : vector<512x64xf32>
    %get3A_13 = arith.constant 0 : index
    %get3A_14 = arith.constant 0 : index
    %get3A_15 = vector.load %arg3[%get3A_13, %get3A_14] : memref<512x8xf32, #tpu.memory_space<vmem>>, vector<512x1xf32>
    %mul3A = vector.broadcast %get3A_15 : vector<512x1xf32> to vector<512x64xf32>
    %mul3A_16 = arith.mulf %add3A_12, %mul3A : vector<512x64xf32>
    %get3A_17 = arith.constant 0 : index
    %get3A_18 = arith.constant 0 : index
    %get3A_19 = vector.load %arg5[%get3A_17, %get3A_18] : memref<1x64xf32, #tpu.memory_space<vmem>>, vector<1x64xf32>
    %add3A_20 = vector.broadcast %get3A_19 : vector<1x64xf32> to vector<512x64xf32>
    %add3A_21 = arith.addf %mul3A_16, %add3A_20 : vector<512x64xf32>
    %max3A = arith.constant 0.000000e+00 : f32
    %max3A_22 = vector.broadcast %max3A : f32 to vector<512x64xf32>
    %max3A_23 = arith.maximumf %add3A_21, %max3A_22 : vector<512x64xf32>
    %get3A_24 = arith.constant 0 : index
    %get3A_25 = arith.constant 0 : index
    %get3A_26 = vector.load %arg6[%get3A_24, %get3A_25] : memref<64x64xf32, #tpu.memory_space<vmem>>, vector<64x64xf32>
    %dot_general3A = arith.constant dense<0.000000e+00> : vector<512x64xf32>
    %dot_general3A_27 = tpu.matmul %max3A_23, %get3A_26, %dot_general3A {dimension_numbers = #tpu.dot_dimension_numbers<[1], [0], [0], [1], [0, 0, 1, 1], [], []>, precision = #tpu.contract_precision<fp32>, transpose_lhs_hint = false} : vector<512x64xf32>, vector<64x64xf32>, vector<512x64xf32> -> vector<512x64xf32>
    %get3A_28 = arith.constant 0 : index
    %get3A_29 = arith.constant 0 : index
    %get3A_30 = vector.load %arg4[%get3A_28, %get3A_29] : memref<512x8xf32, #tpu.memory_space<vmem>>, vector<512x1xf32>
    %mul3A_31 = vector.broadcast %get3A_30 : vector<512x1xf32> to vector<512x64xf32>
    %mul3A_32 = arith.mulf %dot_general3A_27, %mul3A_31 : vector<512x64xf32>
    %swap3A = arith.constant 0 : index
    %swap3A_33 = arith.constant 0 : index
    %swap3A_34 = vector.load %arg7[%swap3A, %swap3A_33] : memref<512x64xf32, #tpu.memory_space<vmem>>, vector<512x64xf32>
    tpu.vector_store %arg7[%swap3A, %swap3A_33], %mul3A_32 {strides = array<i32>} : memref<512x64xf32, #tpu.memory_space<vmem>>, vector<512x64xf32>,
    return
  }
  func.func @transform_0(%arg0: i32) -> (i32, i32, i32) {
    %c0_i32 = arith.constant 0 : i32
    %c0_i32_0 = arith.constant 0 : i32
    %c0_i32_1 = arith.constant 0 : i32
    return %c0_i32, %arg0, %c0_i32_0 : i32, i32, i32
  }
  func.func @transform_1(%arg0: i32) -> (i32, i32) {
    %c0_i32 = arith.constant 0 : i32
    %c0_i32_0 = arith.constant 0 : i32
    return %arg0, %c0_i32 : i32, i32
  }
  func.func @transform_2(%arg0: i32) -> (i32, i32) {
    %c0_i32 = arith.constant 0 : i32
    %c0_i32_0 = arith.constant 0 : i32
    return %arg0, %c0_i32 : i32, i32
  }
  func.func @transform_3(%arg0: i32) -> (i32, i32) {
    %c0_i32 = arith.constant 0 : i32
    %c0_i32_0 = arith.constant 0 : i32
    return %arg0, %c0_i32 : i32, i32
  }
  func.func @transform_4(%arg0: i32) -> (i32, i32) {
    %c0_i32 = arith.constant 0 : i32
    %c0_i32_0 = arith.constant 0 : i32
    %c0_i32_1 = arith.constant 0 : i32
    return %c0_i32, %c0_i32_0 : i32, i32
  }
  func.func @transform_5(%arg0: i32) -> (i32, i32) {
    %c0_i32 = arith.constant 0 : i32
    %c0_i32_0 = arith.constant 0 : i32
    %c0_i32_1 = arith.constant 0 : i32
    return %c0_i32, %c0_i32_0 : i32, i32
  }
  func.func @transform_6(%arg0: i32) -> (i32, i32) {
    %c0_i32 = arith.constant 0 : i32
    %c0_i32_0 = arith.constant 0 : i32
    return %arg0, %c0_i32 : i32, i32
  }
}

module attributes {stable_mosaic.version = 14 : i64} {
  func.func @body(%arg0: i32, %arg1: memref<2x512x64xf32, #tpu.memory_space<vmem>>, %arg2: memref<512x64xf32, #tpu.memory_space<vmem>>, %arg3: memref<512x8xf32, #tpu.memory_space<vmem>>, %arg4: memref<512x8xf32, #tpu.memory_space<vmem>>, %arg5: memref<1x64xf32, #tpu.memory_space<vmem>>, %arg6: memref<64x32xf32, #tpu.memory_space<vmem>>, %arg7: memref<512x32xf32, #tpu.memory_space<vmem>>) attributes {dimension_semantics = [#tpu.dimension_semantics<arbitrary>], iteration_bounds = array<i64: 20>, scalar_prefetch = 0 : i64, scratch_operands = 0 : i64, tpu.core_type = #tpu.core_type<tc>, window_params = [{transform_indices = @transform_0, window_bounds = array<i64: 2, 512, 64>}, {transform_indices = @transform_1, window_bounds = array<i64: 512, 64>}, {transform_indices = @transform_2, window_bounds = array<i64: 512, 8>}, {transform_indices = @transform_3, window_bounds = array<i64: 512, 8>}, {pipeline_mode = #tpu.pipeline_mode<synchronous>, transform_indices = @transform_4, window_bounds = array<i64: 1, 64>}, {pipeline_mode = #tpu.pipeline_mode<synchronous>, transform_indices = @transform_5, window_bounds = array<i64: 64, 32>}, {transform_indices = @transform_6, window_bounds = array<i64: 512, 32>}]} {
    %get3A = arith.constant 0 : index
    %get3A_0 = arith.constant 0 : index
    %get3A_1 = arith.constant 0 : index
    %get3A_2 = vector.load %arg1[%get3A, %get3A_0, %get3A_1] : memref<2x512x64xf32, #tpu.memory_space<vmem>>, vector<1x512x64xf32>
    %get3A_3 = vector.shape_cast %get3A_2 : vector<1x512x64xf32> to vector<512x64xf32>
    %get3A_4 = arith.constant 1 : index
    %get3A_5 = arith.constant 0 : index
    %get3A_6 = arith.constant 0 : index
    %get3A_7 = vector.load %arg1[%get3A_4, %get3A_5, %get3A_6] : memref<2x512x64xf32, #tpu.memory_space<vmem>>, vector<1x512x64xf32>
    %get3A_8 = vector.shape_cast %get3A_7 : vector<1x512x64xf32> to vector<512x64xf32>
    %add3A = arith.addf %get3A_3, %get3A_8 : vector<512x64xf32>
    %get3A_9 = arith.constant 0 : index
    %get3A_10 = arith.constant 0 : index
    %get3A_11 = vector.load %arg2[%get3A_9, %get3A_10] : memref<512x64xf32, #tpu.memory_space<vmem>>, vector<512x64xf32>
    %add3A_12 = arith.addf %add3A, %get3A_11 : vector<512x64xf32>
    %get3A_13 = arith.constant 0 : index
    %get3A_14 = arith.constant 0 : index
    %get3A_15 = vector.load %arg3[%get3A_13, %get3A_14] : memref<512x8xf32, #tpu.memory_space<vmem>>, vector<512x1xf32>
    %mul3A = vector.broadcast %get3A_15 : vector<512x1xf32> to vector<512x64xf32>
    %mul3A_16 = arith.mulf %add3A_12, %mul3A : vector<512x64xf32>
    %get3A_17 = arith.constant 0 : index
    %get3A_18 = arith.constant 0 : index
    %get3A_19 = vector.load %arg5[%get3A_17, %get3A_18] : memref<1x64xf32, #tpu.memory_space<vmem>>, vector<1x64xf32>
    %add3A_20 = vector.broadcast %get3A_19 : vector<1x64xf32> to vector<512x64xf32>
    %add3A_21 = arith.addf %mul3A_16, %add3A_20 : vector<512x64xf32>
    %max3A = arith.constant 0.000000e+00 : f32
    %max3A_22 = vector.broadcast %max3A : f32 to vector<512x64xf32>
    %max3A_23 = arith.maximumf %add3A_21, %max3A_22 : vector<512x64xf32>
    %get3A_24 = arith.constant 0 : index
    %get3A_25 = arith.constant 0 : index
    %get3A_26 = vector.load %arg6[%get3A_24, %get3A_25] : memref<64x32xf32, #tpu.memory_space<vmem>>, vector<64x32xf32>
    %dot_general3A = arith.constant dense<0.000000e+00> : vector<512x32xf32>
    %dot_general3A_27 = tpu.matmul %max3A_23, %get3A_26, %dot_general3A {dimension_numbers = #tpu.dot_dimension_numbers<[1], [0], [0], [1], [0, 0, 1, 1], [], []>, precision = #tpu.contract_precision<fp32>, transpose_lhs_hint = false} : vector<512x64xf32>, vector<64x32xf32>, vector<512x32xf32> -> vector<512x32xf32>
    %get3A_28 = arith.constant 0 : index
    %get3A_29 = arith.constant 0 : index
    %get3A_30 = vector.load %arg4[%get3A_28, %get3A_29] : memref<512x8xf32, #tpu.memory_space<vmem>>, vector<512x1xf32>
    %mul3A_31 = vector.broadcast %get3A_30 : vector<512x1xf32> to vector<512x32xf32>
    %mul3A_32 = arith.mulf %dot_general3A_27, %mul3A_31 : vector<512x32xf32>
    %swap3A = arith.constant 0 : index
    %swap3A_33 = arith.constant 0 : index
    %swap3A_34 = vector.load %arg7[%swap3A, %swap3A_33] : memref<512x32xf32, #tpu.memory_space<vmem>>, vector<512x32xf32>
    tpu.vector_store %arg7[%swap3A, %swap3A_33], %mul3A_32 {strides = array<i32>} : memref<512x32xf32, #tpu.memory_space<vmem>>, vector<512x32xf32>,
    return
  }
  func.func @transform_0(%arg0: i32) -> (i32, i32, i32) {
    %c0_i32 = arith.constant 0 : i32
    %c0_i32_0 = arith.constant 0 : i32
    %c0_i32_1 = arith.constant 0 : i32
    return %c0_i32, %arg0, %c0_i32_0 : i32, i32, i32
  }
  func.func @transform_1(%arg0: i32) -> (i32, i32) {
    %c0_i32 = arith.constant 0 : i32
    %c0_i32_0 = arith.constant 0 : i32
    return %arg0, %c0_i32 : i32, i32
  }
  func.func @transform_2(%arg0: i32) -> (i32, i32) {
    %c0_i32 = arith.constant 0 : i32
    %c0_i32_0 = arith.constant 0 : i32
    return %arg0, %c0_i32 : i32, i32
  }
  func.func @transform_3(%arg0: i32) -> (i32, i32) {
    %c0_i32 = arith.constant 0 : i32
    %c0_i32_0 = arith.constant 0 : i32
    return %arg0, %c0_i32 : i32, i32
  }
  func.func @transform_4(%arg0: i32) -> (i32, i32) {
    %c0_i32 = arith.constant 0 : i32
    %c0_i32_0 = arith.constant 0 : i32
    %c0_i32_1 = arith.constant 0 : i32
    return %c0_i32, %c0_i32_0 : i32, i32
  }
  func.func @transform_5(%arg0: i32) -> (i32, i32) {
    %c0_i32 = arith.constant 0 : i32
    %c0_i32_0 = arith.constant 0 : i32
    %c0_i32_1 = arith.constant 0 : i32
    return %c0_i32, %c0_i32_0 : i32, i32
  }
  func.func @transform_6(%arg0: i32) -> (i32, i32) {
    %c0_i32 = arith.constant 0 : i32
    %c0_i32_0 = arith.constant 0 : i32
    return %arg0, %c0_i32 : i32, i32
  }
}

module attributes {stable_mosaic.version = 14 : i64} {
  func.func @body(%arg0: i32, %arg1: memref<2x1000x32xf32, #tpu.memory_space<vmem>>, %arg2: memref<1000x32xf32, #tpu.memory_space<vmem>>, %arg3: memref<1000x8xf32, #tpu.memory_space<vmem>>, %arg4: memref<1x32xf32, #tpu.memory_space<vmem>>, %arg5: memref<1000x1xi32, #tpu.memory_space<vmem>>, %arg6: memref<32x16xf32, #tpu.memory_space<vmem>>, %arg7: memref<1x16xf32, #tpu.memory_space<vmem>>, %arg8: memref<16x12xf32, #tpu.memory_space<vmem>>, %arg9: memref<1x12xf32, #tpu.memory_space<vmem>>, %arg10: memref<64x12xf32, #tpu.memory_space<vmem>>, %arg11: memref<64x32xf32, #tpu.memory_space<vmem>>, %arg12: memref<64x8xf32, #tpu.memory_space<vmem>>) attributes {dimension_semantics = [#tpu.dimension_semantics<arbitrary>], iteration_bounds = array<i64: 10>, scalar_prefetch = 0 : i64, scratch_operands = 2 : i64, tpu.core_type = #tpu.core_type<tc>, window_params = [{transform_indices = @transform_0, window_bounds = array<i64: 2, 1000, 32>}, {transform_indices = @transform_1, window_bounds = array<i64: 1000, 32>}, {transform_indices = @transform_2, window_bounds = array<i64: 1000, 8>}, {pipeline_mode = #tpu.pipeline_mode<synchronous>, transform_indices = @transform_3, window_bounds = array<i64: 1, 32>}, {transform_indices = @transform_4, window_bounds = array<i64: 1000, 1>}, {pipeline_mode = #tpu.pipeline_mode<synchronous>, transform_indices = @transform_5, window_bounds = array<i64: 32, 16>}, {pipeline_mode = #tpu.pipeline_mode<synchronous>, transform_indices = @transform_6, window_bounds = array<i64: 1, 16>}, {pipeline_mode = #tpu.pipeline_mode<synchronous>, transform_indices = @transform_7, window_bounds = array<i64: 16, 12>}, {pipeline_mode = #tpu.pipeline_mode<synchronous>, transform_indices = @transform_8, window_bounds = array<i64: 1, 12>}, {pipeline_mode = #tpu.pipeline_mode<synchronous>, transform_indices = @transform_9, window_bounds = array<i64: 64, 12>}]} {
    %eq3A = arith.constant 0 : i32
    %eq3A_0 = arith.cmpi eq, %arg0, %eq3A : i32
    %convert_element_type3A = arith.extui %eq3A_0 : i1 to i32
    %cond3A = arith.constant 0 : i32
    %cond3A_1 = arith.cmpi ne, %convert_element_type3A, %cond3A : i32
    scf.if %cond3A_1 {
      %broadcast_in_dim3A_56 = arith.constant 0.000000e+00 : f32
      %broadcast_in_dim3A_57 = vector.broadcast %broadcast_in_dim3A_56 : f32 to vector<64x32xf32>
      %swap3A_58 = arith.constant 0 : index
      %swap3A_59 = arith.constant 0 : index
      %swap3A_60 = vector.load %arg11[%swap3A_58, %swap3A_59] : memref<64x32xf32, #tpu.memory_space<vmem>>, vector<64x32xf32>
      tpu.vector_store %arg11[%swap3A_58, %swap3A_59], %broadcast_in_dim3A_57 {strides = array<i32>} : memref<64x32xf32, #tpu.memory_space<vmem>>, vector<64x32xf32>,
      %broadcast_in_dim3A_61 = arith.constant 0.000000e+00 : f32
      %broadcast_in_dim3A_62 = vector.broadcast %broadcast_in_dim3A_61 : f32 to vector<64x8xf32>
      %swap3A_63 = arith.constant 0 : index
      %swap3A_64 = arith.constant 0 : index
      %swap3A_65 = vector.load %arg12[%swap3A_63, %swap3A_64] : memref<64x8xf32, #tpu.memory_space<vmem>>, vector<64x8xf32>
      tpu.vector_store %arg12[%swap3A_63, %swap3A_64], %broadcast_in_dim3A_62 {strides = array<i32>} : memref<64x8xf32, #tpu.memory_space<vmem>>, vector<64x8xf32>,
    } else {
    }
    %get3A = arith.constant 0 : index
    %get3A_2 = arith.constant 0 : index
    %get3A_3 = arith.constant 0 : index
    %get3A_4 = vector.load %arg1[%get3A, %get3A_2, %get3A_3] : memref<2x1000x32xf32, #tpu.memory_space<vmem>>, vector<1x1000x32xf32>
    %get3A_5 = vector.shape_cast %get3A_4 : vector<1x1000x32xf32> to vector<1000x32xf32>
    %get3A_6 = arith.constant 1 : index
    %get3A_7 = arith.constant 0 : index
    %get3A_8 = arith.constant 0 : index
    %get3A_9 = vector.load %arg1[%get3A_6, %get3A_7, %get3A_8] : memref<2x1000x32xf32, #tpu.memory_space<vmem>>, vector<1x1000x32xf32>
    %get3A_10 = vector.shape_cast %get3A_9 : vector<1x1000x32xf32> to vector<1000x32xf32>
    %add3A = arith.addf %get3A_5, %get3A_10 : vector<1000x32xf32>
    %get3A_11 = arith.constant 0 : index
    %get3A_12 = arith.constant 0 : index
    %get3A_13 = vector.load %arg2[%get3A_11, %get3A_12] : memref<1000x32xf32, #tpu.memory_space<vmem>>, vector<1000x32xf32>
    %add3A_14 = arith.addf %add3A, %get3A_13 : vector<1000x32xf32>
    %get3A_15 = arith.constant 0 : index
    %get3A_16 = arith.constant 0 : index
    %get3A_17 = vector.load %arg3[%get3A_15, %get3A_16] : memref<1000x8xf32, #tpu.memory_space<vmem>>, vector<1000x1xf32>
    %mul3A = vector.broadcast %get3A_17 : vector<1000x1xf32> to vector<1000x32xf32>
    %mul3A_18 = arith.mulf %add3A_14, %mul3A : vector<1000x32xf32>
    %get3A_19 = arith.constant 0 : index
    %get3A_20 = arith.constant 0 : index
    %get3A_21 = vector.load %arg4[%get3A_19, %get3A_20] : memref<1x32xf32, #tpu.memory_space<vmem>>, vector<1x32xf32>
    %add3A_22 = vector.broadcast %get3A_21 : vector<1x32xf32> to vector<1000x32xf32>
    %add3A_23 = arith.addf %mul3A_18, %add3A_22 : vector<1000x32xf32>
    %max3A = arith.constant 0.000000e+00 : f32
    %max3A_24 = vector.broadcast %max3A : f32 to vector<1000x32xf32>
    %max3A_25 = arith.maximumf %add3A_23, %max3A_24 : vector<1000x32xf32>
    %iota3A = tpu.iota {dimensions = array<i32: 1>} : vector<1x64xi32>
    %get3A_26 = arith.constant 0 : index
    %get3A_27 = arith.constant 0 : index
    %get3A_28 = vector.load %arg5[%get3A_26, %get3A_27] : memref<1000x1xi32, #tpu.memory_space<vmem>>, vector<1000x1xi32>
    %eq3A_29 = vector.broadcast %get3A_28 : vector<1000x1xi32> to vector<1000x64xi32>
    %eq3A_30 = vector.broadcast %iota3A : vector<1x64xi32> to vector<1000x64xi32>
    %eq3A_31 = arith.cmpi eq, %eq3A_29, %eq3A_30 : vector<1000x64xi32>
    %convert_element_type3A_32 = arith.extui %eq3A_31 : vector<1000x64xi1> to vector<1000x64xi32>
    %convert_element_type3A_33 = arith.sitofp %convert_element_type3A_32 : vector<1000x64xi32> to vector<1000x64xf32>
    %get3A_34 = arith.constant 0 : index
    %get3A_35 = arith.constant 0 : index
    %get3A_36 = vector.load %arg11[%get3A_34, %get3A_35] : memref<64x32xf32, #tpu.memory_space<vmem>>, vector<64x32xf32>
    %dot_general3A = arith.constant dense<0.000000e+00> : vector<64x32xf32>
    %dot_general3A_37 = tpu.matmul %convert_element_type3A_33, %max3A_25, %dot_general3A {dimension_numbers = #tpu.dot_dimension_numbers<[0], [0], [1], [1], [0, 1, 1, 1], [], []>, precision = #tpu.contract_precision<fp32>, transpose_lhs_hint = false} : vector<1000x64xf32>, vector<1000x32xf32>, vector<64x32xf32> -> vector<64x32xf32>
    %add3A_38 = arith.addf %get3A_36, %dot_general3A_37 : vector<64x32xf32>
    %swap3A = arith.constant 0 : index
    %swap3A_39 = arith.constant 0 : index
    %swap3A_40 = vector.load %arg11[%swap3A, %swap3A_39] : memref<64x32xf32, #tpu.memory_space<vmem>>, vector<64x32xf32>
    tpu.vector_store %arg11[%swap3A, %swap3A_39], %add3A_38 {strides = array<i32>} : memref<64x32xf32, #tpu.memory_space<vmem>>, vector<64x32xf32>,
    %get3A_41 = arith.constant 0 : index
    %get3A_42 = arith.constant 0 : index
    %get3A_43 = vector.load %arg12[%get3A_41, %get3A_42] : memref<64x8xf32, #tpu.memory_space<vmem>>, vector<64x8xf32>
    %broadcast_in_dim3A = arith.constant 1.000000e+00 : f32
    %broadcast_in_dim3A_44 = vector.broadcast %broadcast_in_dim3A : f32 to vector<1000x8xf32>
    %dot_general3A_45 = arith.constant dense<0.000000e+00> : vector<64x8xf32>
    %dot_general3A_46 = tpu.matmul %convert_element_type3A_33, %broadcast_in_dim3A_44, %dot_general3A_45 {dimension_numbers = #tpu.dot_dimension_numbers<[0], [0], [1], [1], [0, 1, 1, 1], [], []>, precision = #tpu.contract_precision<fp32>, transpose_lhs_hint = false} : vector<1000x64xf32>, vector<1000x8xf32>, vector<64x8xf32> -> vector<64x8xf32>
    %add3A_47 = arith.addf %get3A_43, %dot_general3A_46 : vector<64x8xf32>
    %swap3A_48 = arith.constant 0 : index
    %swap3A_49 = arith.constant 0 : index
    %swap3A_50 = vector.load %arg12[%swap3A_48, %swap3A_49] : memref<64x8xf32, #tpu.memory_space<vmem>>, vector<64x8xf32>
    tpu.vector_store %arg12[%swap3A_48, %swap3A_49], %add3A_47 {strides = array<i32>} : memref<64x8xf32, #tpu.memory_space<vmem>>, vector<64x8xf32>,
    %eq3A_51 = arith.constant 9 : i32
    %eq3A_52 = arith.cmpi eq, %arg0, %eq3A_51 : i32
    %convert_element_type3A_53 = arith.extui %eq3A_52 : i1 to i32
    %cond3A_54 = arith.constant 0 : i32
    %cond3A_55 = arith.cmpi ne, %convert_element_type3A_53, %cond3A_54 : i32
    scf.if %cond3A_55 {
      %get3A_56 = arith.constant 0 : index
      %get3A_57 = arith.constant 0 : index
      %get3A_58 = vector.load %arg11[%get3A_56, %get3A_57] : memref<64x32xf32, #tpu.memory_space<vmem>>, vector<64x32xf32>
      %get3A_59 = arith.constant 0 : index
      %get3A_60 = arith.constant 0 : index
      %get3A_61 = vector.load %arg12[%get3A_59, %get3A_60] : memref<64x8xf32, #tpu.memory_space<vmem>>, vector<64x1xf32>
      %max3A_62 = arith.constant 1.000000e+00 : f32
      %max3A_63 = vector.broadcast %max3A_62 : f32 to vector<64x1xf32>
      %max3A_64 = arith.maximumf %get3A_61, %max3A_63 : vector<64x1xf32>
      %div3A = vector.broadcast %max3A_64 : vector<64x1xf32> to vector<64x32xf32>
      %div3A_65 = arith.divf %get3A_58, %div3A : vector<64x32xf32>
      %get3A_66 = arith.constant 0 : index
      %get3A_67 = arith.constant 0 : index
      %get3A_68 = vector.load %arg6[%get3A_66, %get3A_67] : memref<32x16xf32, #tpu.memory_space<vmem>>, vector<32x16xf32>
      %dot_general3A_69 = arith.constant dense<0.000000e+00> : vector<64x16xf32>
      %dot_general3A_70 = tpu.matmul %div3A_65, %get3A_68, %dot_general3A_69 {dimension_numbers = #tpu.dot_dimension_numbers<[1], [0], [0], [1], [0, 0, 1, 1], [], []>, precision = #tpu.contract_precision<fp32>, transpose_lhs_hint = false} : vector<64x32xf32>, vector<32x16xf32>, vector<64x16xf32> -> vector<64x16xf32>
      %get3A_71 = arith.constant 0 : index
      %get3A_72 = arith.constant 0 : index
      %get3A_73 = vector.load %arg7[%get3A_71, %get3A_72] : memref<1x16xf32, #tpu.memory_space<vmem>>, vector<1x16xf32>
      %add3A_74 = vector.broadcast %get3A_73 : vector<1x16xf32> to vector<64x16xf32>
      %add3A_75 = arith.addf %dot_general3A_70, %add3A_74 : vector<64x16xf32>
      %max3A_76 = arith.constant 0.000000e+00 : f32
      %max3A_77 = vector.broadcast %max3A_76 : f32 to vector<64x16xf32>
      %max3A_78 = arith.maximumf %add3A_75, %max3A_77 : vector<64x16xf32>
      %get3A_79 = arith.constant 0 : index
      %get3A_80 = arith.constant 0 : index
      %get3A_81 = vector.load %arg8[%get3A_79, %get3A_80] : memref<16x12xf32, #tpu.memory_space<vmem>>, vector<16x12xf32>
      %dot_general3A_82 = arith.constant dense<0.000000e+00> : vector<64x12xf32>
      %dot_general3A_83 = tpu.matmul %max3A_78, %get3A_81, %dot_general3A_82 {dimension_numbers = #tpu.dot_dimension_numbers<[1], [0], [0], [1], [0, 0, 1, 1], [], []>, precision = #tpu.contract_precision<fp32>, transpose_lhs_hint = false} : vector<64x16xf32>, vector<16x12xf32>, vector<64x12xf32> -> vector<64x12xf32>
      %get3A_84 = arith.constant 0 : index
      %get3A_85 = arith.constant 0 : index
      %get3A_86 = vector.load %arg9[%get3A_84, %get3A_85] : memref<1x12xf32, #tpu.memory_space<vmem>>, vector<1x12xf32>
      %add3A_87 = vector.broadcast %get3A_86 : vector<1x12xf32> to vector<64x12xf32>
      %add3A_88 = arith.addf %dot_general3A_83, %add3A_87 : vector<64x12xf32>
      %reduce_max3A = arith.constant dense<0xFF800000> : vector<64xf32>
      %reduce_max3A_89 = vector.multi_reduction <maximumf>, %add3A_88, %reduce_max3A [1] : vector<64x12xf32> to vector<64xf32>
      %broadcast_in_dim3A_90 = vector.shape_cast %reduce_max3A_89 : vector<64xf32> to vector<64x1xf32>
      %sub3A = vector.broadcast %broadcast_in_dim3A_90 : vector<64x1xf32> to vector<64x12xf32>
      %sub3A_91 = arith.subf %add3A_88, %sub3A : vector<64x12xf32>
      %exp3A = math.exp %sub3A_91 : vector<64x12xf32>
      %sub3A_92 = vector.broadcast %broadcast_in_dim3A_90 : vector<64x1xf32> to vector<64x12xf32>
      %sub3A_93 = arith.subf %add3A_88, %sub3A_92 : vector<64x12xf32>
      %reduce_sum3A = arith.constant dense<0.000000e+00> : vector<64xf32>
      %reduce_sum3A_94 = vector.multi_reduction <add>, %exp3A, %reduce_sum3A [1] : vector<64x12xf32> to vector<64xf32>
      %broadcast_in_dim3A_95 = vector.shape_cast %reduce_sum3A_94 : vector<64xf32> to vector<64x1xf32>
      %log3A = math.log %broadcast_in_dim3A_95 : vector<64x1xf32>
      %sub3A_96 = vector.broadcast %log3A : vector<64x1xf32> to vector<64x12xf32>
      %sub3A_97 = arith.subf %sub3A_93, %sub3A_96 : vector<64x12xf32>
      %swap3A_98 = arith.constant 0 : index
      %swap3A_99 = arith.constant 0 : index
      %swap3A_100 = vector.load %arg10[%swap3A_98, %swap3A_99] : memref<64x12xf32, #tpu.memory_space<vmem>>, vector<64x12xf32>
      tpu.vector_store %arg10[%swap3A_98, %swap3A_99], %sub3A_97 {strides = array<i32>} : memref<64x12xf32, #tpu.memory_space<vmem>>, vector<64x12xf32>,
    } else {
    }
    return
  }
  func.func @transform_0(%arg0: i32) -> (i32, i32, i32) {
    %c0_i32 = arith.constant 0 : i32
    %c0_i32_0 = arith.constant 0 : i32
    %c0_i32_1 = arith.constant 0 : i32
    return %c0_i32, %arg0, %c0_i32_0 : i32, i32, i32
  }
  func.func @transform_1(%arg0: i32) -> (i32, i32) {
    %c0_i32 = arith.constant 0 : i32
    %c0_i32_0 = arith.constant 0 : i32
    return %arg0, %c0_i32 : i32, i32
  }
  func.func @transform_2(%arg0: i32) -> (i32, i32) {
    %c0_i32 = arith.constant 0 : i32
    %c0_i32_0 = arith.constant 0 : i32
    return %arg0, %c0_i32 : i32, i32
  }
  func.func @transform_3(%arg0: i32) -> (i32, i32) {
    %c0_i32 = arith.constant 0 : i32
    %c0_i32_0 = arith.constant 0 : i32
    %c0_i32_1 = arith.constant 0 : i32
    return %c0_i32, %c0_i32_0 : i32, i32
  }
  func.func @transform_4(%arg0: i32) -> (i32, i32) {
    %c0_i32 = arith.constant 0 : i32
    %c0_i32_0 = arith.constant 0 : i32
    return %arg0, %c0_i32 : i32, i32
  }
  func.func @transform_5(%arg0: i32) -> (i32, i32) {
    %c0_i32 = arith.constant 0 : i32
    %c0_i32_0 = arith.constant 0 : i32
    %c0_i32_1 = arith.constant 0 : i32
    return %c0_i32, %c0_i32_0 : i32, i32
  }
  func.func @transform_6(%arg0: i32) -> (i32, i32) {
    %c0_i32 = arith.constant 0 : i32
    %c0_i32_0 = arith.constant 0 : i32
    %c0_i32_1 = arith.constant 0 : i32
    return %c0_i32, %c0_i32_0 : i32, i32
  }
  func.func @transform_7(%arg0: i32) -> (i32, i32) {
    %c0_i32 = arith.constant 0 : i32
    %c0_i32_0 = arith.constant 0 : i32
    %c0_i32_1 = arith.constant 0 : i32
    return %c0_i32, %c0_i32_0 : i32, i32
  }
  func.func @transform_8(%arg0: i32) -> (i32, i32) {
    %c0_i32 = arith.constant 0 : i32
    %c0_i32_0 = arith.constant 0 : i32
    %c0_i32_1 = arith.constant 0 : i32
    return %c0_i32, %c0_i32_0 : i32, i32
  }
  func.func @transform_9(%arg0: i32) -> (i32, i32) {
    %c0_i32 = arith.constant 0 : i32
    %c0_i32_0 = arith.constant 0 : i32
    %c0_i32_1 = arith.constant 0 : i32
    return %c0_i32, %c0_i32_0 : i32, i32
  }
}

</mosaic_0001>

<sc_bundles>
// kernel: kernel.10.cloned.1.call-start
scs
__scs_entry_jumppad:
0x0: {  	(pc) =	sbr.rel $0x88, $3  }
0x1: {  	(tag) =	ssettag $0x0;
	lr =	simm.s32 $0x1  }
0x2: {  	[smem:$0x3F94] =	sst lr;
	_ =	strace $0xD0000000  }
0x3: {  	_ = 	snop  }
0x4: {  	_ = 	snop  }
0x5: {  	_ = 	snop  }
0x6: {  	_ = 	snop  }
0x7: {  	_ = 	snop  }
__scs_overlays_trampoline_lowered:
0x8: {  	[smem:$0x3FA3] =	sst s0  }
0x9: {  	[smem:$0x3FA4] =	sst s1  }
0xa: {  	[smem:$0x3FA5] =	sst s2  }
0xb: {  	[smem:$0x3FA6] =	sst s3  }
0xc: {  	[smem:$0x3FA7] =	sst s4  }
0xd: {  	[smem:$0x3FA8] =	sst s5  }
0xe: {  	[smem:$0x3FA9] =	sst s6  }
0xf: {  	[smem:$0x3FAA] =	sst s7  }
0x10: {  	[smem:$0x3FAB] =	sst s8  }
0x11: {  	[smem:$0x3FAC] =	sst s9;
	s0 =	simm.s32 @!p0 $0x0  }
0x12: {  	s1 =	sld [smem:$0x3F92];
	s0 =	simm.s32 @p0 $0x1  }
0x13: {  	[smem:$0x3FAD] =	sst s0;
	s0 =	simm.s32 @!p1 $0x0  }
0x14: {  	s2 =	sld [smem:$0x3F91];
	s0 =	simm.s32 @p1 $0x1  }
0x15: {  	[smem:$0x3FAE] =	sst s0;
	s0 =	simm.s32 @!p2 $0x0  }
0x16: {  	s3 =	sld [smem:$0x3FDB];
	s0 =	simm.s32 @p2 $0x1  }
0x17: {  	s4 =	simm.s32 $0x1BF5;
	[smem:$0x3FB0] =	sst s0  }
0x18: {  	s0 =	sld [smem:$0x3F93];
	_ =	swait.ge [sflag:s4], $0x0  }
0x19: {  	s7 =	sld [smem:$0x3F94]  }
0x1a: {  	s8 =	sadd.s32 $0xFFFFE003, lr  }
0x1b: {  	s9 =	sadd.s32 $0xFFFFFEF7, lr;
	s5 =	simm.s32 $0xFFFFFFFF;
	p2 =	slt.u32 s8, $0xFFFFF086  }
0x1c: {  	p1 =	slt.u32 s9, $0xF7A;
	s5 =	simm.s32 @!p2 $0x0  }
0x1d: {  	s5 =	simm.s32 @p1 $0x1;
	p0 =	seq.s32 s7, s2  }
0x1e: {  	s7 =	smul.u32 @!p0 $0xF7A, s2;
	p2 =	seq.s32 @!p0 s5, $0x0  }
0x1f: {  	s9 =	smul.u32 $0xF7A, s1;
	s8 =	simm.s32 @!p0 $0x1BF5;
	p2 =	por !p2, p0  }
0x20: {  	[sflag:s8] =	ssyncset.s32 @!p0 $0xFFFFF086;
	s6 =	sadd.s32 @!p0 s3, s7;
	s7 =	simm.s32 @!p0 $0x108  }
0x21: {  	s3 =	sadd.s32 s3, s9;
	s6 =	sadd.s32 @!p0 $0x88, s6;
	s7 =	simm.s32 @p2 $0x1082  }
0x22: {  	[simem:s7], [sflag:s8] =	dma.local @!p0 [hbm:s6], $0xF7A  }
0x23: {  	s9 =	sor.u32 $0xD0000000, s2;
	s6 =	simm.s32 $0x108;
	_ =	swait.ge @!p0 [sflag:s8], $0x0  }
0x24: {  	s3 =	sadd.s32 $0x88, s3;
	s6 =	simm.s32 @!p1 $0x1082;
	[sflag:s4] =	ssyncset.s32 $0xFFFFF086  }
0x25: {  	[simem:s6], [sflag:s4] =	dma.local [hbm:s3], $0xF7A  }
0x26: {  	[smem:$0x3F94] =	sst s1;
	(tag) =	ssettag s2;
	_ =	strace s9  }
0x27: {  	s1 =	sld [smem:$0x3FA4]  }
0x28: {  	s2 =	sld [smem:$0x3FA5]  }
0x29: {  	s4 =	sld [smem:$0x3FA7]  }
0x2a: {  	p0 =	seq.s32 s5, $0x0;
	s5 =	sld [smem:$0x3FA8]  }
0x2b: {  	s6 =	sld [smem:$0x3FA9]  }
0x2c: {  	s7 =	sld [smem:$0x3FAA]  }
0x2d: {  	s3 =	simm.s32 $0x108;
	s8 =	sld [smem:$0x3FAB]  }
0x2e: {  	s3 =	simm.s32 @!p0 $0x1082;
	s9 =	sld [smem:$0x3FAC]  }
0x2f: {  	lr =	sadd.s32 s0, s3;
	s0 =	sld [smem:$0x3FA3]  }
0x30: {  	s3 =	sld [smem:$0x3FA6]  }
0x31: {  	[smem:$0x3FAF] =	sst s10  }
0x32: {  	s10 =	sld [smem:$0x3FAD];
	_ =	sdelay $0x3  }
0x33: {  	p0 =	seq.s32 s10, $0x1;
	s10 =	sld [smem:$0x3FAF];
	_ =	sdelay $0x3  }
0x34: {  	[smem:$0x3FAF] =	sst s10  }
0x35: {  	s10 =	sld [smem:$0x3FAE];
	_ =	sdelay $0x3  }
0x36: {  	p1 =	seq.s32 s10, $0x1;
	s10 =	sld [smem:$0x3FAF];
	_ =	sdelay $0x3  }
0x37: {  	[smem:$0x3FAF] =	sst s10  }
0x38: {  	s10 =	sld [smem:$0x3FB0]  }
0x39: {  	_ = 	snop;
	(pc) =	sbr.ind lr, $3  }
0x3a: {  	_ = 	snop  }
0x3b: {  	_ = 	snop  }
0x3c: {  	p2 =	seq.s32 s10, $0x1;
	s10 =	sld [smem:$0x3FAF]  }
0x3d: {  	_ =	shalt  }
0x3e: {  	_ =	shalt  }
0x3f: {  	_ =	shalt  }
0x40: {  	_ =	shalt  }
0x41: {  	_ =	shalt  }
0x42: {  	_ =	shalt  }
0x43: {  	_ =	shalt  }
0x44: {  	_ =	shalt  }
0x45: {  	_ =	shalt  }
0x46: {  	_ =	shalt  }
0x47: {  	_ =	shalt  }
0x48: {  	_ =	shalt  }
0x49: {  	_ =	shalt  }
0x4a: {  	_ =	shalt  }
0x4b: {  	_ =	shalt  }
0x4c: {  	_ =	shalt  }
0x4d: {  	_ =	shalt  }
0x4e: {  	_ =	shalt  }
0x4f: {  	_ =	shalt  }
0x50: {  	_ =	shalt  }
0x51: {  	_ =	shalt  }
0x52: {  	_ =	shalt  }
0x53: {  	_ =	shalt  }
0x54: {  	_ =	shalt  }
0x55: {  	_ =	shalt  }
0x56: {  	_ =	shalt  }
0x57: {  	_ =	shalt  }
0x58: {  	_ =	shalt  }
0x59: {  	_ =	shalt  }
0x5a: {  	_ =	shalt  }
0x5b: {  	_ =	shalt  }
0x5c: {  	_ =	shalt  }
0x5d: {  	_ =	shalt  }
0x5e: {  	_ =	shalt  }
0x5f: {  	_ =	shalt  }
0x60: {  	_ =	shalt  }
0x61: {  	_ =	shalt  }
0x62: {  	_ =	shalt  }
0x63: {  	_ =	shalt  }
0x64: {  	_ =	shalt  }
0x65: {  	_ =	shalt  }
0x66: {  	_ =	shalt  }
0x67: {  	_ =	shalt  }
0x68: {  	_ =	shalt  }
0x69: {  	_ =	shalt  }
0x6a: {  	_ =	shalt  }
0x6b: {  	_ =	shalt  }
0x6c: {  	_ =	shalt  }
0x6d: {  	_ =	shalt  }
0x6e: {  	_ =	shalt  }
0x6f: {  	_ =	shalt  }
0x70: {  	_ =	shalt  }
0x71: {  	_ =	shalt  }
0x72: {  	_ =	shalt  }
0x73: {  	_ =	shalt  }
0x74: {  	_ =	shalt  }
0x75: {  	_ =	shalt  }
0x76: {  	_ =	shalt  }
0x77: {  	_ =	shalt  }
0x78: {  	_ =	shalt  }
0x79: {  	_ =	shalt  }
0x7a: {  	_ =	shalt  }
0x7b: {  	_ =	shalt  }
0x7c: {  	_ =	shalt  }
0x7d: {  	_ =	shalt  }
0x7e: {  	_ =	shalt  }
0x7f: {  	_ =	shalt  }
0x80: {  	_ =	shalt  }
0x81: {  	_ =	shalt  }
0x82: {  	_ =	shalt  }
0x83: {  	_ =	shalt  }
0x84: {  	_ =	shalt  }
0x85: {  	_ =	shalt  }
0x86: {  	_ =	shalt  }
0x87: {  	_ =	shalt  }
.Lfunc_end0:
.L_simem_size_0:
called_computation_lowered:
.L_overlay_start_0:
0x88: {  	s2 =	sld [smem:$0x3FD9]  }
0x89: {  	s3 =	sld [smem:$0x3FFE];
	_ =	sdelay $0x1  }
0x8a: {  	s1 =	srdreg.scid  }
0x8b: {  	s0 =	sand.u32 $0x1, s1  }
0x8c: {  	s17 =	sshll.u32 s0, $0xA;
	s2 =	sadd.s32 s3, s2  }
0x8d: {  	s2 =	sadd.s32 s2, s17  }
0x8e: {  	[smem:$0x3FBB] =	sst s2  }
0x8f: {  	_ = 	snop  }
0x90: {  	s2 =	sld [smem:$0x3FD0];
	(tm) =	ssettm $0x1  }
0x91: {  	s18 =	sld [smem:$0x3FFB];
	_ =	sdelay $0x3  }
0x92: {  	_ =	strace s18  }
0x93: {  	s3 =	sld [smem:$0x3FFC];
	_ =	sdelay $0x3  }
0x94: {  	_ =	strace s3  }
0x95: {  	s3 =	sld [smem:$0x3FFD];
	_ =	sdelay $0x3  }
0x96: {  	_ =	strace s3  }
0x97: {  	_ =	strace $0x8FFFFFFF  }
0x98: {  	s19 =	sld [smem:$0x3FDB];
	_ =	sdelay $0x1  }
0x99: {  	s4 =	simm.s32 $_scs_section_size  }
0x9a: {  	s5 =	simm.s32 $_size__tile_overlayer_lowered;
	s6 =	simm.s32 $_tile_overlayer_lowered  }
0x9b: {  	s22 =	simm.s32 $0x1BFF;
	s21 =	sshll.u32 s6, $0x1;
	s3 =	sadd.s32 s4, s19  }
0x9c: {  	s7 =	simm.s32 $0x0;
	s20 =	sshll.u32 s5, $0x1;
	s5 =	sadd.s32 s21, s3  }
0x9d: {  	[timem:s7], [sflag:s22] =	dma.local [hbm:s5], s20  }
0x9e: {  	_ =	swait.ge [sflag:s22], s20  }
0x9f: {  	s4 =	ssub.s32 $0x0, s20;
	[sflag:s22] =	ssyncset.done $0x0  }
0xa0: {  	[sflag:s22] =	ssyncadd.s32 s4;
	_ =	sdelay $0x1  }
0xa1: {  	s23 =	simm.s32 $0x1B8B  }
0xa2: {  	_ =	swait.ge [sflag:s23], $0x1  }
0xa3: {  	[sflag:s23] =	ssyncset.done $0x0  }
0xa4: {  	s25 =	simm.s32 $0x1B8E;
	s24 =	sld [smem:$0x3FFE];
	[sflag:s23] =	ssyncadd.s32 $0xFFFFFFFF  }
0xa5: {  	s26 =	simm.s32 $execute0_lowered;
	[smem:$0x3FD2] =	sst s25  }
0xa6: {  	s5 =	sshll.u32 s26, $0x1;
	_ =	strace $0x80000046;
	[dreg:$0x1] =	wrdreg $0xFFFFFFFF  }
0xa7: {  	s28 =	simm.s32 $_size_execute0_lowered;
	s3 =	sadd.s32 s3, s5;
	[dreg:$0x0] =	wrdreg $0x0  }
0xa8: {  	s5 =	sshll.u32 s28, $0x1;
	[dreg:$0x2] =	wrdreg s3  }
0xa9: {  	[dreg:$0x3] =	wrdreg s5  }
0xaa: {  	[dreg:$0x4] =	wrdreg $0xC0  }
0xab: {  	_ =	task [dreg:s7], $0x5FFFF  }
0xac: {  	[dreg:$0x1] =	wrdreg $0xFFFFFFFF  }
0xad: {  	[dreg:$0x0] =	wrdreg $0x60  }
0xae: {  	[dreg:$0x2] =	wrdreg s24  }
0xaf: {  	[dreg:$0x3] =	wrdreg s2  }
0xb0: {  	[dreg:$0x4] =	wrdreg $0x30000  }
0xb1: {  	[dreg:$0x5] =	wrdreg $0x9  }
0xb2: {  	_ =	task.clear_ibuf [dreg:s7], $0x6FFFF;
	_ =	strace $0x90000046  }
0xb3: {  	s29 =	simm.s32 $0x9;
	_ =	strace $0x80000048  }
0xb4: {  	_ =	swait.ge [sflag:s29], $0x1  }
0xb5: {  	[sflag:s29] =	ssyncadd.s32 $0xFFFFFFFF  }
0xb6: {  	_ =	strace $0x90000048  }
0xb7: {  	_ =	sfence  }
0xb8: {  	s30 =	sld [smem:$0x0];
	_ =	sdelay $0x2  }
0xb9: {  	s31 =	sshll.u32 s1, $0xD;
	s1 =	sshrl.u32 s1, $0x2  }
0xba: {  	s3 =	sand.u32 $0x4000, s31;
	s1 =	sadd.s32 s1, s30  }
0xbb: {  	s0 =	sor.u32 s3, s0;
	s1 =	sshll.u32 s1, $0x11  }
0xbc: {  	s0 =	sor.u32 s1, s0  }
0xbd: {  	s0 =	sadd.s32 $0x8F2B, s0  }
0xbe: {  	[sflag:s0] =	ssyncadd.remote.s32 $0x1  }
0xbf: {  	_ =	sfence.sel $0xFFFF  }
0xc0: {  	[dreg:$0x0] =	wrdreg $0xFFFFFFFF;
	(pc) =	sbr.abs _section_cstart, $3  }
0xc1: {  	[dreg:$0x1] =	wrdreg $0xFFFFFFFF  }
0xc2: {  	_ =	task.clear_ibuf [dreg:s7], $0x2FFFF;
	_ =	strace $0x9FFFFFFF  }
0xc3: {  	(tm) =	ssettm $0x7FFFFFFF  }
tec
execute0_lowered:
.L_overlay_start_1:
0x0: {  	(tag) =	ssettag $0x1  }
0x1: {  	s5 =	rddreg [dreg:$0x0]  }
0x2: {  	s1 =	srdreg.scid;
	s2 =	rddreg [dreg:$0x1]  }
0x3: {  	s0 =	stileid.u32;
	s3 =	rddreg [dreg:$0x2];
	s4 =	simm.s32 $0x0  }
0x4: {  	s13 =	simm.s32 $0x80;
	s14 =	simm.s32 $0x0;
	s6 =	sand.u32 $0x1, s1  }
0x5: {  	s30 =	sshll.u32 s0, $0x1;
	s8 =	smul.u32 $0x2800, s0;
	[smem:$0x7FF] =	sst s4  }
0x6: {  	s31 =	sshll.u32 s0, $0x6;
	s1 =	sor.u32 s6, s30;
	s9 =	smul.u32 $0x28000, s6  }
0x7: {  	s6 =	ssub.s32 $0x2, s6;
	s7 =	smul.u32 $0x500, s1;
	s1 =	rddreg [dreg:$0x3]  }
0x8: {  	_ =	strace $0x80000047;
	s10 =	sshrl.u32 s8, $0x3;
	s11 =	sshrl.u32 s6, $0x1  }
0x9: {  	s12 =	sadd.s32 s8, s3;
	s9 =	sadd.s32 s8, s9;
	s10 =	sadd.s32 s10, s5  }
0xa: {  	s11 =	ssub.s32 s6, s11;
	s12 =	sshrl.u32 s12, $0x3;
	s7 =	sadd.s32 s7, s5  }
0xb: {  	s9 =	sshrl.u32 s9, $0x3;
	s6 =	sadd.s32 $0xC800, s10;
	s8 =	smax.u32 s11, $0x1  }
0xc: {  	s10 =	simm.s32 $0x2800;
	s11 =	sor.u32 $0x1C01, s31;
	s9 =	sadd.s32 s9, s5  }
0xd: {  	s5 =	sadd.s32 $0x2800, s7;
	s7 =	sadd.s32 $0x11800, s9;
	s9 =	simm.s32 $0x1  }
.LBB2_1:
0xe: {  	[tilespmem:s4], [sflag:$0x1] =	stream.linear.gather [hbm4b:s5+s4], $0x2800, $0x38;
	[tilespmem:$0x5800] =	vst v63  }
0xf: {  	_ =	swait.ge [sflag:s9], $0x2800  }
0x10: {  	[sflag:s9] =	ssyncset.done $0x0  }
0x11: {  	[sflag:s9] =	ssyncadd.s32 $0xFFFFD800  }
0x12: {  	[tilespmem:s10], [sflag:$0x1] =	stream.linear.gather [hbm4b:s2+s4], $0x800, $0x38;
	[tilespmem:$0x5800] =	vst v63  }
0x13: {  	_ =	swait.ge [sflag:s9], $0x800  }
0x14: {  	[sflag:s9] =	ssyncset.done $0x0  }
0x15: {  	[sflag:s9] =	ssyncadd.s32 $0xFFFFF800  }
0x16: {  	[spmem:s12], [sflag:s11] =	dma.local [hbm:s6], $0x500  }
0x17: {  	_ =	swait.ge [sflag:s9], $0x500  }
0x18: {  	[sflag:s9] =	ssyncset.done $0x0  }
0x19: {  	[sflag:s9] =	ssyncadd.s32 $0xFFFFFB00  }
0x1a: {  	s15 =	simm.s32 $0x0;
	[bflag:$0x0] =	sbarrier.arrive $0xFFFF  }
0x1b: {  	[spmem:s3] =	stream.indirect.scatter.add.f32 [tilespmem:s10], [sflag:$0x1], $0x10, s15, s13, $0xb8;
	[tilespmem:$0x5800] =	vst v63  }
0x1c: {  	_ =	swait.ge [sflag:s9], $0x800  }
0x1d: {  	s15 =	simm.s32 $0x200;
	[sflag:s9] =	ssyncset.done $0x0  }
.LBB2_2:
0x1e: {  	s16 =	sshra.s32 s15, $0x2;
	[sflag:s9] =	ssyncadd.s32 $0xFFFFF800;
	p0 =	sne.s32 s15, $0x9E00  }
0x1f: {  	[spmem:s3] =	stream.indirect.scatter.add.f32 [tilespmem:s10], [sflag:$0x1], $0x10, s16, s13, $0xb8;
	[tilespmem:$0x5800] =	vst v63  }
.Ltmp0:
0x20: {  	_ = 	snop;
	(pc) =	sbr.rel @p0 .LBB2_2-.Ltmp0, $4  }
0x21: {  	_ = 	snop  }
0x22: {  	s15 =	sadd.s32 $0x200, s15  }
0x23: {  	_ =	swait.ge [sflag:s9], $0x800  }
0x24: {  	[sflag:s9] =	ssyncset.done $0x0  }
0x25: {  	s14 =	sadd.s32 $0x1, s14  }
0x26: {  	[sflag:s9] =	ssyncadd.s32 $0xFFFFF800;
	p0 =	sne.s32 s14, s8  }
.Ltmp1:
0x27: {  	[bflag:$0x0] =	sbarrier.arrive $0xFFFF;
	(pc) =	sbr.rel @p0 .LBB2_1-.Ltmp1, $4  }
0x28: {  	[hbm:s7], [sflag:s11] =	dma.local [spmem:s12], $0x500  }
0x29: {  	_ =	swait.ge [sflag:s9], $0x500  }
0x2a: {  	[sflag:s9] =	ssyncset.done $0x0  }
0x2b: {  	[sflag:s9] =	ssyncadd.s32 $0xFFFFFB00  }
0x2c: {  	_ =	sfence.sel $0x180000  }
0x2d: {  	[bflag:$0x0] =	sbarrier.arrive $0xFFFF  }
0x2e: {  	p0 =	sne.s32 s0, $0x0;
	_ =	strace $0x90000047  }
0x2f: {  	s0 =	sadd.s32 @!p0 $0x100000, s1;
	[bflag:$0x2] =	sbarrier.arrive $0xFFFF  }
0x30: {  	[sflag:s0] =	ssyncadd.tile.s32 @!p0 $0x1;
	_ =	shalt  }
.Lfunc_end2:
_tile_overlayer_lowered:
.L_overlay_start_2:
0x31: {  	(tag) =	ssettag $0x2  }
0x32: {  	s0 =	rddreg [dreg:$0x0];
	s2 =	stileid.u32  }
0x33: {  	s1 =	rddreg [dreg:$0x1];
	p0 =	sne.s32 s2, $0x0  }
0x34: {  	s3 =	rddreg [dreg:$0x2];
	[bflag:$0x3] =	sbarrier.arrive $0xFFFF;
	s2 =	simm.s32 @!p0 $0x1C01  }
0x35: {  	[timem:s3], [sflag:s2] =	dma.local @!p0 [hbm:s0], s1  }
0x36: {  	s0 =	simm.s32 @!p0 $0x1  }
0x37: {  	_ =	swait.ge @!p0 [sflag:s0], s1  }
0x38: {  	s1 =	ssub.s32 @!p0 $0x0, s1;
	[sflag:s0] =	ssyncset.done @!p0 $0x0  }
0x39: {  	[sflag:s0] =	ssyncadd.s32 @!p0 s1  }
0x3a: {  	[bflag:$0x3] =	sbarrier.arrive $0xFFFF  }
0x3b: {  	_ =	shalt  }

// kernel: kernel.13.cloned.1.call-start
scs
__scs_entry_jumppad:
0x0: {  	(pc) =	sbr.rel $0x88, $3  }
0x1: {  	(tag) =	ssettag $0x0;
	lr =	simm.s32 $0x1  }
0x2: {  	[smem:$0x3F94] =	sst lr;
	_ =	strace $0xD0000000  }
0x3: {  	_ = 	snop  }
0x4: {  	_ = 	snop  }
0x5: {  	_ = 	snop  }
0x6: {  	_ = 	snop  }
0x7: {  	_ = 	snop  }
__scs_overlays_trampoline_lowered:
0x8: {  	[smem:$0x3FA3] =	sst s0  }
0x9: {  	[smem:$0x3FA4] =	sst s1  }
0xa: {  	[smem:$0x3FA5] =	sst s2  }
0xb: {  	[smem:$0x3FA6] =	sst s3  }
0xc: {  	[smem:$0x3FA7] =	sst s4  }
0xd: {  	[smem:$0x3FA8] =	sst s5  }
0xe: {  	[smem:$0x3FA9] =	sst s6  }
0xf: {  	[smem:$0x3FAA] =	sst s7  }
0x10: {  	[smem:$0x3FAB] =	sst s8  }
0x11: {  	[smem:$0x3FAC] =	sst s9;
	s0 =	simm.s32 @!p0 $0x0  }
0x12: {  	s1 =	sld [smem:$0x3F92];
	s0 =	simm.s32 @p0 $0x1  }
0x13: {  	[smem:$0x3FAD] =	sst s0;
	s0 =	simm.s32 @!p1 $0x0  }
0x14: {  	s2 =	sld [smem:$0x3F91];
	s0 =	simm.s32 @p1 $0x1  }
0x15: {  	[smem:$0x3FAE] =	sst s0;
	s0 =	simm.s32 @!p2 $0x0  }
0x16: {  	s3 =	sld [smem:$0x3FDB];
	s0 =	simm.s32 @p2 $0x1  }
0x17: {  	s4 =	simm.s32 $0x1BF5;
	[smem:$0x3FB0] =	sst s0  }
0x18: {  	s0 =	sld [smem:$0x3F93];
	_ =	swait.ge [sflag:s4], $0x0  }
0x19: {  	s7 =	sld [smem:$0x3F94]  }
0x1a: {  	s8 =	sadd.s32 $0xFFFFE003, lr  }
0x1b: {  	s9 =	sadd.s32 $0xFFFFFEF7, lr;
	s5 =	simm.s32 $0xFFFFFFFF;
	p2 =	slt.u32 s8, $0xFFFFF086  }
0x1c: {  	p1 =	slt.u32 s9, $0xF7A;
	s5 =	simm.s32 @!p2 $0x0  }
0x1d: {  	s5 =	simm.s32 @p1 $0x1;
	p0 =	seq.s32 s7, s2  }
0x1e: {  	s7 =	smul.u32 @!p0 $0xF7A, s2;
	p2 =	seq.s32 @!p0 s5, $0x0  }
0x1f: {  	s9 =	smul.u32 $0xF7A, s1;
	s8 =	simm.s32 @!p0 $0x1BF5;
	p2 =	por !p2, p0  }
0x20: {  	[sflag:s8] =	ssyncset.s32 @!p0 $0xFFFFF086;
	s6 =	sadd.s32 @!p0 s3, s7;
	s7 =	simm.s32 @!p0 $0x108  }
0x21: {  	s3 =	sadd.s32 s3, s9;
	s6 =	sadd.s32 @!p0 $0x88, s6;
	s7 =	simm.s32 @p2 $0x1082  }
0x22: {  	[simem:s7], [sflag:s8] =	dma.local @!p0 [hbm:s6], $0xF7A  }
0x23: {  	s9 =	sor.u32 $0xD0000000, s2;
	s6 =	simm.s32 $0x108;
	_ =	swait.ge @!p0 [sflag:s8], $0x0  }
0x24: {  	s3 =	sadd.s32 $0x88, s3;
	s6 =	simm.s32 @!p1 $0x1082;
	[sflag:s4] =	ssyncset.s32 $0xFFFFF086  }
0x25: {  	[simem:s6], [sflag:s4] =	dma.local [hbm:s3], $0xF7A  }
0x26: {  	[smem:$0x3F94] =	sst s1;
	(tag) =	ssettag s2;
	_ =	strace s9  }
0x27: {  	s1 =	sld [smem:$0x3FA4]  }
0x28: {  	s2 =	sld [smem:$0x3FA5]  }
0x29: {  	s4 =	sld [smem:$0x3FA7]  }
0x2a: {  	p0 =	seq.s32 s5, $0x0;
	s5 =	sld [smem:$0x3FA8]  }
0x2b: {  	s6 =	sld [smem:$0x3FA9]  }
0x2c: {  	s7 =	sld [smem:$0x3FAA]  }
0x2d: {  	s3 =	simm.s32 $0x108;
	s8 =	sld [smem:$0x3FAB]  }
0x2e: {  	s3 =	simm.s32 @!p0 $0x1082;
	s9 =	sld [smem:$0x3FAC]  }
0x2f: {  	lr =	sadd.s32 s0, s3;
	s0 =	sld [smem:$0x3FA3]  }
0x30: {  	s3 =	sld [smem:$0x3FA6]  }
0x31: {  	[smem:$0x3FAF] =	sst s10  }
0x32: {  	s10 =	sld [smem:$0x3FAD];
	_ =	sdelay $0x3  }
0x33: {  	p0 =	seq.s32 s10, $0x1;
	s10 =	sld [smem:$0x3FAF];
	_ =	sdelay $0x3  }
0x34: {  	[smem:$0x3FAF] =	sst s10  }
0x35: {  	s10 =	sld [smem:$0x3FAE];
	_ =	sdelay $0x3  }
0x36: {  	p1 =	seq.s32 s10, $0x1;
	s10 =	sld [smem:$0x3FAF];
	_ =	sdelay $0x3  }
0x37: {  	[smem:$0x3FAF] =	sst s10  }
0x38: {  	s10 =	sld [smem:$0x3FB0]  }
0x39: {  	_ = 	snop;
	(pc) =	sbr.ind lr, $3  }
0x3a: {  	_ = 	snop  }
0x3b: {  	_ = 	snop  }
0x3c: {  	p2 =	seq.s32 s10, $0x1;
	s10 =	sld [smem:$0x3FAF]  }
0x3d: {  	_ =	shalt  }
0x3e: {  	_ =	shalt  }
0x3f: {  	_ =	shalt  }
0x40: {  	_ =	shalt  }
0x41: {  	_ =	shalt  }
0x42: {  	_ =	shalt  }
0x43: {  	_ =	shalt  }
0x44: {  	_ =	shalt  }
0x45: {  	_ =	shalt  }
0x46: {  	_ =	shalt  }
0x47: {  	_ =	shalt  }
0x48: {  	_ =	shalt  }
0x49: {  	_ =	shalt  }
0x4a: {  	_ =	shalt  }
0x4b: {  	_ =	shalt  }
0x4c: {  	_ =	shalt  }
0x4d: {  	_ =	shalt  }
0x4e: {  	_ =	shalt  }
0x4f: {  	_ =	shalt  }
0x50: {  	_ =	shalt  }
0x51: {  	_ =	shalt  }
0x52: {  	_ =	shalt  }
0x53: {  	_ =	shalt  }
0x54: {  	_ =	shalt  }
0x55: {  	_ =	shalt  }
0x56: {  	_ =	shalt  }
0x57: {  	_ =	shalt  }
0x58: {  	_ =	shalt  }
0x59: {  	_ =	shalt  }
0x5a: {  	_ =	shalt  }
0x5b: {  	_ =	shalt  }
0x5c: {  	_ =	shalt  }
0x5d: {  	_ =	shalt  }
0x5e: {  	_ =	shalt  }
0x5f: {  	_ =	shalt  }
0x60: {  	_ =	shalt  }
0x61: {  	_ =	shalt  }
0x62: {  	_ =	shalt  }
0x63: {  	_ =	shalt  }
0x64: {  	_ =	shalt  }
0x65: {  	_ =	shalt  }
0x66: {  	_ =	shalt  }
0x67: {  	_ =	shalt  }
0x68: {  	_ =	shalt  }
0x69: {  	_ =	shalt  }
0x6a: {  	_ =	shalt  }
0x6b: {  	_ =	shalt  }
0x6c: {  	_ =	shalt  }
0x6d: {  	_ =	shalt  }
0x6e: {  	_ =	shalt  }
0x6f: {  	_ =	shalt  }
0x70: {  	_ =	shalt  }
0x71: {  	_ =	shalt  }
0x72: {  	_ =	shalt  }
0x73: {  	_ =	shalt  }
0x74: {  	_ =	shalt  }
0x75: {  	_ =	shalt  }
0x76: {  	_ =	shalt  }
0x77: {  	_ =	shalt  }
0x78: {  	_ =	shalt  }
0x79: {  	_ =	shalt  }
0x7a: {  	_ =	shalt  }
0x7b: {  	_ =	shalt  }
0x7c: {  	_ =	shalt  }
0x7d: {  	_ =	shalt  }
0x7e: {  	_ =	shalt  }
0x7f: {  	_ =	shalt  }
0x80: {  	_ =	shalt  }
0x81: {  	_ =	shalt  }
0x82: {  	_ =	shalt  }
0x83: {  	_ =	shalt  }
0x84: {  	_ =	shalt  }
0x85: {  	_ =	shalt  }
0x86: {  	_ =	shalt  }
0x87: {  	_ =	shalt  }
.Lfunc_end0:
.L_simem_size_0:
called_computation.1_lowered:
.L_overlay_start_0:
0x88: {  	s2 =	sld [smem:$0x3FD9]  }
0x89: {  	s3 =	sld [smem:$0x3FFE];
	_ =	sdelay $0x1  }
0x8a: {  	s1 =	srdreg.scid  }
0x8b: {  	s0 =	sand.u32 $0x1, s1  }
0x8c: {  	s16 =	sshll.u32 s0, $0xA;
	s2 =	sadd.s32 s3, s2  }
0x8d: {  	s2 =	sadd.s32 s2, s16  }
0x8e: {  	[smem:$0x3FBB] =	sst s2  }
0x8f: {  	_ = 	snop  }
0x90: {  	(tm) =	ssettm $0x1  }
0x91: {  	s17 =	sld [smem:$0x3FFB];
	_ =	sdelay $0x3  }
0x92: {  	_ =	strace s17  }
0x93: {  	s2 =	sld [smem:$0x3FFC];
	_ =	sdelay $0x3  }
0x94: {  	_ =	strace s2  }
0x95: {  	s2 =	sld [smem:$0x3FFD];
	_ =	sdelay $0x3  }
0x96: {  	_ =	strace s2  }
0x97: {  	_ =	strace $0x8FFFFFFF  }
0x98: {  	s18 =	sld [smem:$0x3FDB];
	_ =	sdelay $0x1  }
0x99: {  	s19 =	simm.s32 $_scs_section_size  }
0x9a: {  	s4 =	simm.s32 $_size__tile_overlayer_lowered;
	s5 =	simm.s32 $_tile_overlayer_lowered  }
0x9b: {  	s22 =	simm.s32 $0x1BFF;
	s21 =	sshll.u32 s5, $0x1;
	s2 =	sadd.s32 s19, s18  }
0x9c: {  	s6 =	simm.s32 $0x0;
	s20 =	sshll.u32 s4, $0x1;
	s4 =	sadd.s32 s21, s2  }
0x9d: {  	[timem:s6], [sflag:s22] =	dma.local [hbm:s4], s20  }
0x9e: {  	_ =	swait.ge [sflag:s22], s20  }
0x9f: {  	s3 =	ssub.s32 $0x0, s20;
	[sflag:s22] =	ssyncset.done $0x0  }
0xa0: {  	[sflag:s22] =	ssyncadd.s32 s3;
	_ =	sdelay $0x1  }
0xa1: {  	s23 =	simm.s32 $0x1B8B  }
0xa2: {  	_ =	swait.ge [sflag:s23], $0x1  }
0xa3: {  	[sflag:s23] =	ssyncset.done $0x0  }
0xa4: {  	s25 =	simm.s32 $0x1B8E;
	s24 =	sld [smem:$0x3FFE];
	[sflag:s23] =	ssyncadd.s32 $0xFFFFFFFF  }
0xa5: {  	s26 =	simm.s32 $execute0_lowered;
	[smem:$0x3FD2] =	sst s25  }
0xa6: {  	s4 =	sshll.u32 s26, $0x1;
	_ =	strace $0x80000049;
	[dreg:$0x1] =	wrdreg $0xFFFFFFFF  }
0xa7: {  	s28 =	simm.s32 $_size_execute0_lowered;
	s2 =	sadd.s32 s2, s4;
	[dreg:$0x0] =	wrdreg $0x0  }
0xa8: {  	s4 =	sshll.u32 s28, $0x1;
	[dreg:$0x2] =	wrdreg s2  }
0xa9: {  	[dreg:$0x3] =	wrdreg s4  }
0xaa: {  	[dreg:$0x4] =	wrdreg $0xC0  }
0xab: {  	_ =	task [dreg:s6], $0x5FFFF  }
0xac: {  	[dreg:$0x1] =	wrdreg $0xFFFFFFFF  }
0xad: {  	[dreg:$0x0] =	wrdreg $0x60  }
0xae: {  	[dreg:$0x2] =	wrdreg s24  }
0xaf: {  	[dreg:$0x3] =	wrdreg $0x130000  }
0xb0: {  	[dreg:$0x4] =	wrdreg $0x90000  }
0xb1: {  	[dreg:$0x5] =	wrdreg $0x9  }
0xb2: {  	_ =	task.clear_ibuf [dreg:s6], $0x6FFFF;
	_ =	strace $0x90000049  }
0xb3: {  	s29 =	simm.s32 $0x9;
	_ =	strace $0x8000004B  }
0xb4: {  	_ =	swait.ge [sflag:s29], $0x1  }
0xb5: {  	[sflag:s29] =	ssyncadd.s32 $0xFFFFFFFF  }
0xb6: {  	_ =	strace $0x9000004B  }
0xb7: {  	_ =	sfence  }
0xb8: {  	s30 =	sld [smem:$0x0];
	_ =	sdelay $0x2  }
0xb9: {  	s31 =	sshll.u32 s1, $0xD;
	s1 =	sshrl.u32 s1, $0x2  }
0xba: {  	s3 =	sand.u32 $0x4000, s31;
	s1 =	sadd.s32 s1, s30  }
0xbb: {  	s0 =	sor.u32 s3, s0;
	s1 =	sshll.u32 s1, $0x11  }
0xbc: {  	s0 =	sor.u32 s1, s0  }
0xbd: {  	s0 =	sadd.s32 $0x8F2B, s0  }
0xbe: {  	[sflag:s0] =	ssyncadd.remote.s32 $0x1  }
0xbf: {  	_ =	sfence.sel $0xFFFF  }
0xc0: {  	[dreg:$0x0] =	wrdreg $0xFFFFFFFF;
	(pc) =	sbr.abs _section_cstart, $3  }
0xc1: {  	[dreg:$0x1] =	wrdreg $0xFFFFFFFF  }
0xc2: {  	_ =	task.clear_ibuf [dreg:s6], $0x2FFFF;
	_ =	strace $0x9FFFFFFF  }
0xc3: {  	(tm) =	ssettm $0x7FFFFFFF  }
tec
execute0_lowered:
.L_overlay_start_1:
0x0: {  	(tag) =	ssettag $0x1  }
0x1: {  	s1 =	srdreg.scid;
	s5 =	rddreg [dreg:$0x0]  }
0x2: {  	s0 =	stileid.u32;
	s2 =	rddreg [dreg:$0x1]  }
0x3: {  	s3 =	rddreg [dreg:$0x2];
	s4 =	simm.s32 $0x0;
	s12 =	simm.s32 $0x2800  }
0x4: {  	s16 =	simm.s32 $0x80;
	s17 =	simm.s32 $0x5000;
	s18 =	simm.s32 $0x1  }
0x5: {  	s19 =	simm.s32 $0x7000;
	s20 =	simm.s32 $0x2780;
	s21 =	simm.s32 $0x4F00  }
0x6: {  	s22 =	simm.s32 $0x4F80;
	s23 =	simm.s32 $0x0;
	s6 =	sand.u32 $0x1, s1  }
0x7: {  	s31 =	sshll.u32 s0, $0x1;
	s8 =	smul.u32 $0xA000, s0;
	[smem:$0x7FF] =	sst s4  }
0x8: {  	s13 =	sshll.u32 s0, $0x6;
	s1 =	sor.u32 s6, s31;
	s9 =	smul.u32 $0xA0000, s6  }
0x9: {  	s6 =	ssub.s32 $0x2, s6;
	s13 =	sor.u32 $0x1C02, s13;
	s7 =	smul.u32 $0x500, s1  }
0xa: {  	s1 =	rddreg [dreg:$0x3];
	_ =	strace $0x8000004A;
	s10 =	sshrl.u32 s8, $0x3  }
0xb: {  	s11 =	sshrl.u32 s6, $0x1;
	s14 =	sadd.s32 s8, s2;
	s15 =	sadd.s32 s8, s3  }
0xc: {  	s9 =	sadd.s32 s8, s9;
	s10 =	sadd.s32 s10, s5;
	s11 =	ssub.s32 s6, s11  }
0xd: {  	s14 =	sshrl.u32 s14, $0x3;
	s15 =	sshrl.u32 s15, $0x3;
	s9 =	sshrl.u32 s9, $0x3  }
0xe: {  	s7 =	sadd.s32 s7, s5;
	s8 =	sadd.s32 $0x39800, s10;
	s9 =	sadd.s32 s9, s5  }
0xf: {  	s5 =	sadd.s32 $0x1B800, s7;
	s6 =	sadd.s32 $0x2800, s7;
	s7 =	sadd.s32 $0x25800, s10  }
0x10: {  	s10 =	smax.u32 s11, $0x1;
	s11 =	simm.s32 $0x2;
	s9 =	sadd.s32 $0x4D800, s9  }
.LBB2_1:
0x11: {  	[tilespmem:s4], [sflag:$0x2] =	stream.linear.gather [hbm4b:s5+s4], $0x2800, $0x38;
	[tilespmem:$0x1D000] =	vst v63  }
0x12: {  	_ =	swait.ge [sflag:s11], $0x2800  }
0x13: {  	[sflag:s11] =	ssyncset.done $0x0  }
0x14: {  	[sflag:s11] =	ssyncadd.s32 $0xFFFFD800  }
0x15: {  	[tilespmem:s12], [sflag:$0x2] =	stream.linear.gather [hbm4b:s6+s4], $0x2800, $0x38;
	[tilespmem:$0x1D000] =	vst v63  }
0x16: {  	_ =	swait.ge [sflag:s11], $0x2800  }
0x17: {  	[sflag:s11] =	ssyncset.done $0x0  }
0x18: {  	[sflag:s11] =	ssyncadd.s32 $0xFFFFD800  }
0x19: {  	[spmem:s14], [sflag:s13] =	dma.local [hbm:s7], $0x1400  }
0x1a: {  	_ =	swait.ge [sflag:s11], $0x1400  }
0x1b: {  	[sflag:s11] =	ssyncset.done $0x0  }
0x1c: {  	[sflag:s11] =	ssyncadd.s32 $0xFFFFEC00  }
0x1d: {  	[spmem:s15], [sflag:s13] =	dma.local [hbm:s8], $0x1400  }
0x1e: {  	_ =	swait.ge [sflag:s11], $0x1400  }
0x1f: {  	[sflag:s11] =	ssyncset.done $0x0  }
0x20: {  	[sflag:s11] =	ssyncadd.s32 $0xFFFFEC00  }
0x21: {  	[bflag:$0x0] =	sbarrier.arrive $0xFFFF  }
0x22: {  	[tilespmem:s17], [sflag:$0x1] =	stream.indirect.gather [spmem:s2], $0x40, s4, s16, $0xb8;
	[tilespmem:$0x1D000] =	vst v63  }
0x23: {  	_ =	swait.ge [sflag:s18], $0x2000  }
0x24: {  	[sflag:s18] =	ssyncset.done $0x0  }
0x25: {  	s24 =	simm.s32 $0x80;
	[sflag:s18] =	ssyncadd.s32 $0xFFFFE000  }
0x26: {  	[tilespmem:s19], [sflag:$0x1] =	stream.indirect.gather [spmem:s2], $0x40, s24, s16, $0xb8;
	[tilespmem:$0x1D000] =	vst v63  }
0x27: {  	s29 =	simm.s32 $0x2800  }
0x28: {  	[spmem:s3] =	stream.indirect.scatter.add.f32 [tilespmem:s17], [sflag:$0x2], $0x40, s29, s16, $0xb8;
	[tilespmem:$0x1D000] =	vst v63  }
0x29: {  	_ =	swait.ge [sflag:s11], $0x2000  }
0x2a: {  	[sflag:s11] =	ssyncset.done $0x0  }
0x2b: {  	[sflag:s11] =	ssyncadd.s32 $0xFFFFE000  }
0x2c: {  	_ =	swait.ge [sflag:s18], $0x2000  }
0x2d: {  	[sflag:s18] =	ssyncset.done $0x0  }
0x2e: {  	s30 =	simm.s32 $0x100;
	[sflag:s18] =	ssyncadd.s32 $0xFFFFE000  }
0x2f: {  	[tilespmem:s17], [sflag:$0x1] =	stream.indirect.gather [spmem:s2], $0x40, s30, s16, $0xb8;
	[tilespmem:$0x1D000] =	vst v63  }
0x30: {  	s31 =	simm.s32 $0x2880  }
0x31: {  	[spmem:s3] =	stream.indirect.scatter.add.f32 [tilespmem:s19], [sflag:$0x2], $0x40, s31, s16, $0xb8;
	[tilespmem:$0x1D000] =	vst v63  }
0x32: {  	_ =	swait.ge [sflag:s11], $0x2000  }
0x33: {  	s24 =	simm.s32 $0x400;
	[sflag:s11] =	ssyncset.done $0x0  }
.LBB2_2:
0x34: {  	p0 =	sne.s32 s24, $0x9800  }
0x35: {  	[sflag:s11] =	ssyncadd.s32 $0xFFFFE000;
	s25 =	smov.u32 s24;
	s24 =	sadd.s32 $0x400, s24  }
0x36: {  	_ = 	snop  }
0x37: {  	_ =	swait.ge [sflag:s18], $0x2000  }
0x38: {  	s25 =	sshra.s32 s25, $0x2;
	[sflag:s18] =	ssyncset.done $0x0  }
0x39: {  	s26 =	sadd.s32 $0x80, s25;
	[sflag:s18] =	ssyncadd.s32 $0xFFFFE000  }
0x3a: {  	[tilespmem:s19], [sflag:$0x1] =	stream.indirect.gather [spmem:s2], $0x40, s26, s16, $0xb8;
	[tilespmem:$0x1D000] =	vst v63  }
0x3b: {  	s26 =	sadd.s32 $0x2800, s25  }
0x3c: {  	[spmem:s3] =	stream.indirect.scatter.add.f32 [tilespmem:s17], [sflag:$0x2], $0x40, s26, s16, $0xb8;
	[tilespmem:$0x1D000] =	vst v63  }
0x3d: {  	_ =	swait.ge [sflag:s11], $0x2000  }
0x3e: {  	[sflag:s11] =	ssyncset.done $0x0  }
0x3f: {  	[sflag:s11] =	ssyncadd.s32 $0xFFFFE000  }
0x40: {  	_ =	swait.ge [sflag:s18], $0x2000  }
0x41: {  	[sflag:s18] =	ssyncset.done $0x0  }
0x42: {  	s26 =	sadd.s32 $0x100, s25;
	[sflag:s18] =	ssyncadd.s32 $0xFFFFE000  }
0x43: {  	[tilespmem:s17], [sflag:$0x1] =	stream.indirect.gather [spmem:s2], $0x40, s26, s16, $0xb8;
	[tilespmem:$0x1D000] =	vst v63  }
.Ltmp0:
0x44: {  	_ = 	snop;
	(pc) =	sbr.rel @p0 .LBB2_2-.Ltmp0, $4  }
0x45: {  	s25 =	sadd.s32 $0x2880, s25  }
0x46: {  	[spmem:s3] =	stream.indirect.scatter.add.f32 [tilespmem:s19], [sflag:$0x2], $0x40, s25, s16, $0xb8;
	[tilespmem:$0x1D000] =	vst v63  }
0x47: {  	_ =	swait.ge [sflag:s11], $0x2000  }
0x48: {  	[sflag:s11] =	ssyncset.done $0x0  }
0x49: {  	[sflag:s11] =	ssyncadd.s32 $0xFFFFE000  }
0x4a: {  	_ =	swait.ge [sflag:s18], $0x2000  }
0x4b: {  	[sflag:s18] =	ssyncset.done $0x0  }
0x4c: {  	[sflag:s18] =	ssyncadd.s32 $0xFFFFE000  }
0x4d: {  	[tilespmem:s19], [sflag:$0x1] =	stream.indirect.gather [spmem:s2], $0x40, s20, s16, $0xb8;
	[tilespmem:$0x1D000] =	vst v63  }
0x4e: {  	_ = 	snop  }
0x4f: {  	[spmem:s3] =	stream.indirect.scatter.add.f32 [tilespmem:s17], [sflag:$0x2], $0x40, s21, s16, $0xb8;
	[tilespmem:$0x1D000] =	vst v63  }
0x50: {  	_ =	swait.ge [sflag:s11], $0x2000  }
0x51: {  	[sflag:s11] =	ssyncset.done $0x0  }
0x52: {  	[sflag:s11] =	ssyncadd.s32 $0xFFFFE000  }
0x53: {  	_ =	swait.ge [sflag:s18], $0x2000  }
0x54: {  	[sflag:s18] =	ssyncset.done $0x0  }
0x55: {  	[sflag:s18] =	ssyncadd.s32 $0xFFFFE000  }
0x56: {  	[spmem:s3] =	stream.indirect.scatter.add.f32 [tilespmem:s19], [sflag:$0x2], $0x40, s22, s16, $0xb8;
	[tilespmem:$0x1D000] =	vst v63  }
0x57: {  	_ =	swait.ge [sflag:s11], $0x2000  }
0x58: {  	s23 =	sadd.s32 $0x1, s23;
	[sflag:s11] =	ssyncset.done $0x0  }
0x59: {  	p0 =	sne.s32 s23, s10;
	[sflag:s11] =	ssyncadd.s32 $0xFFFFE000  }
.Ltmp1:
0x5a: {  	[bflag:$0x0] =	sbarrier.arrive $0xFFFF;
	(pc) =	sbr.rel @p0 .LBB2_1-.Ltmp1, $4  }
0x5b: {  	[hbm:s9], [sflag:s13] =	dma.local [spmem:s15], $0x1400  }
0x5c: {  	_ =	swait.ge [sflag:s11], $0x1400  }
0x5d: {  	[sflag:s11] =	ssyncset.done $0x0  }
0x5e: {  	[sflag:s11] =	ssyncadd.s32 $0xFFFFEC00  }
0x5f: {  	_ =	sfence.sel $0x180000  }
0x60: {  	[bflag:$0x0] =	sbarrier.arrive $0xFFFF  }
0x61: {  	p0 =	sne.s32 s0, $0x0;
	_ =	strace $0x9000004A  }
0x62: {  	s0 =	sadd.s32 @!p0 $0x100000, s1;
	[bflag:$0x2] =	sbarrier.arrive $0xFFFF  }
0x63: {  	[sflag:s0] =	ssyncadd.tile.s32 @!p0 $0x1;
	_ =	shalt  }
.Lfunc_end2:
_tile_overlayer_lowered:
.L_overlay_start_2:
0x64: {  	(tag) =	ssettag $0x2  }
0x65: {  	s0 =	rddreg [dreg:$0x0];
	s2 =	stileid.u32  }
0x66: {  	s1 =	rddreg [dreg:$0x1];
	p0 =	sne.s32 s2, $0x0  }
0x67: {  	s3 =	rddreg [dreg:$0x2];
	[bflag:$0x3] =	sbarrier.arrive $0xFFFF;
	s2 =	simm.s32 @!p0 $0x1C02  }
0x68: {  	[timem:s3], [sflag:s2] =	dma.local @!p0 [hbm:s0], s1  }
0x69: {  	s0 =	simm.s32 @!p0 $0x2  }
0x6a: {  	_ =	swait.ge @!p0 [sflag:s0], s1  }
0x6b: {  	s1 =	ssub.s32 @!p0 $0x0, s1;
	[sflag:s0] =	ssyncset.done @!p0 $0x0  }
0x6c: {  	[sflag:s0] =	ssyncadd.s32 @!p0 s1  }
0x6d: {  	[bflag:$0x3] =	sbarrier.arrive $0xFFFF  }
0x6e: {  	_ =	shalt  }

// kernel: kernel.16.cloned.1.call-start
scs
__scs_entry_jumppad:
0x0: {  	(pc) =	sbr.rel $0x88, $3  }
0x1: {  	(tag) =	ssettag $0x0;
	lr =	simm.s32 $0x1  }
0x2: {  	[smem:$0x3F94] =	sst lr;
	_ =	strace $0xD0000000  }
0x3: {  	_ = 	snop  }
0x4: {  	_ = 	snop  }
0x5: {  	_ = 	snop  }
0x6: {  	_ = 	snop  }
0x7: {  	_ = 	snop  }
__scs_overlays_trampoline_lowered:
0x8: {  	[smem:$0x3FA3] =	sst s0  }
0x9: {  	[smem:$0x3FA4] =	sst s1  }
0xa: {  	[smem:$0x3FA5] =	sst s2  }
0xb: {  	[smem:$0x3FA6] =	sst s3  }
0xc: {  	[smem:$0x3FA7] =	sst s4  }
0xd: {  	[smem:$0x3FA8] =	sst s5  }
0xe: {  	[smem:$0x3FA9] =	sst s6  }
0xf: {  	[smem:$0x3FAA] =	sst s7  }
0x10: {  	[smem:$0x3FAB] =	sst s8  }
0x11: {  	[smem:$0x3FAC] =	sst s9;
	s0 =	simm.s32 @!p0 $0x0  }
0x12: {  	s1 =	sld [smem:$0x3F92];
	s0 =	simm.s32 @p0 $0x1  }
0x13: {  	[smem:$0x3FAD] =	sst s0;
	s0 =	simm.s32 @!p1 $0x0  }
0x14: {  	s2 =	sld [smem:$0x3F91];
	s0 =	simm.s32 @p1 $0x1  }
0x15: {  	[smem:$0x3FAE] =	sst s0;
	s0 =	simm.s32 @!p2 $0x0  }
0x16: {  	s3 =	sld [smem:$0x3FDB];
	s0 =	simm.s32 @p2 $0x1  }
0x17: {  	s4 =	simm.s32 $0x1BF5;
	[smem:$0x3FB0] =	sst s0  }
0x18: {  	s0 =	sld [smem:$0x3F93];
	_ =	swait.ge [sflag:s4], $0x0  }
0x19: {  	s7 =	sld [smem:$0x3F94]  }
0x1a: {  	s8 =	sadd.s32 $0xFFFFE003, lr  }
0x1b: {  	s9 =	sadd.s32 $0xFFFFFEF7, lr;
	s5 =	simm.s32 $0xFFFFFFFF;
	p2 =	slt.u32 s8, $0xFFFFF086  }
0x1c: {  	p1 =	slt.u32 s9, $0xF7A;
	s5 =	simm.s32 @!p2 $0x0  }
0x1d: {  	s5 =	simm.s32 @p1 $0x1;
	p0 =	seq.s32 s7, s2  }
0x1e: {  	s7 =	smul.u32 @!p0 $0xF7A, s2;
	p2 =	seq.s32 @!p0 s5, $0x0  }
0x1f: {  	s9 =	smul.u32 $0xF7A, s1;
	s8 =	simm.s32 @!p0 $0x1BF5;
	p2 =	por !p2, p0  }
0x20: {  	[sflag:s8] =	ssyncset.s32 @!p0 $0xFFFFF086;
	s6 =	sadd.s32 @!p0 s3, s7;
	s7 =	simm.s32 @!p0 $0x108  }
0x21: {  	s3 =	sadd.s32 s3, s9;
	s6 =	sadd.s32 @!p0 $0x88, s6;
	s7 =	simm.s32 @p2 $0x1082  }
0x22: {  	[simem:s7], [sflag:s8] =	dma.local @!p0 [hbm:s6], $0xF7A  }
0x23: {  	s9 =	sor.u32 $0xD0000000, s2;
	s6 =	simm.s32 $0x108;
	_ =	swait.ge @!p0 [sflag:s8], $0x0  }
0x24: {  	s3 =	sadd.s32 $0x88, s3;
	s6 =	simm.s32 @!p1 $0x1082;
	[sflag:s4] =	ssyncset.s32 $0xFFFFF086  }
0x25: {  	[simem:s6], [sflag:s4] =	dma.local [hbm:s3], $0xF7A  }
0x26: {  	[smem:$0x3F94] =	sst s1;
	(tag) =	ssettag s2;
	_ =	strace s9  }
0x27: {  	s1 =	sld [smem:$0x3FA4]  }
0x28: {  	s2 =	sld [smem:$0x3FA5]  }
0x29: {  	s4 =	sld [smem:$0x3FA7]  }
0x2a: {  	p0 =	seq.s32 s5, $0x0;
	s5 =	sld [smem:$0x3FA8]  }
0x2b: {  	s6 =	sld [smem:$0x3FA9]  }
0x2c: {  	s7 =	sld [smem:$0x3FAA]  }
0x2d: {  	s3 =	simm.s32 $0x108;
	s8 =	sld [smem:$0x3FAB]  }
0x2e: {  	s3 =	simm.s32 @!p0 $0x1082;
	s9 =	sld [smem:$0x3FAC]  }
0x2f: {  	lr =	sadd.s32 s0, s3;
	s0 =	sld [smem:$0x3FA3]  }
0x30: {  	s3 =	sld [smem:$0x3FA6]  }
0x31: {  	[smem:$0x3FAF] =	sst s10  }
0x32: {  	s10 =	sld [smem:$0x3FAD];
	_ =	sdelay $0x3  }
0x33: {  	p0 =	seq.s32 s10, $0x1;
	s10 =	sld [smem:$0x3FAF];
	_ =	sdelay $0x3  }
0x34: {  	[smem:$0x3FAF] =	sst s10  }
0x35: {  	s10 =	sld [smem:$0x3FAE];
	_ =	sdelay $0x3  }
0x36: {  	p1 =	seq.s32 s10, $0x1;
	s10 =	sld [smem:$0x3FAF];
	_ =	sdelay $0x3  }
0x37: {  	[smem:$0x3FAF] =	sst s10  }
0x38: {  	s10 =	sld [smem:$0x3FB0]  }
0x39: {  	_ = 	snop;
	(pc) =	sbr.ind lr, $3  }
0x3a: {  	_ = 	snop  }
0x3b: {  	_ = 	snop  }
0x3c: {  	p2 =	seq.s32 s10, $0x1;
	s10 =	sld [smem:$0x3FAF]  }
0x3d: {  	_ =	shalt  }
0x3e: {  	_ =	shalt  }
0x3f: {  	_ =	shalt  }
0x40: {  	_ =	shalt  }
0x41: {  	_ =	shalt  }
0x42: {  	_ =	shalt  }
0x43: {  	_ =	shalt  }
0x44: {  	_ =	shalt  }
0x45: {  	_ =	shalt  }
0x46: {  	_ =	shalt  }
0x47: {  	_ =	shalt  }
0x48: {  	_ =	shalt  }
0x49: {  	_ =	shalt  }
0x4a: {  	_ =	shalt  }
0x4b: {  	_ =	shalt  }
0x4c: {  	_ =	shalt  }
0x4d: {  	_ =	shalt  }
0x4e: {  	_ =	shalt  }
0x4f: {  	_ =	shalt  }
0x50: {  	_ =	shalt  }
0x51: {  	_ =	shalt  }
0x52: {  	_ =	shalt  }
0x53: {  	_ =	shalt  }
0x54: {  	_ =	shalt  }
0x55: {  	_ =	shalt  }
0x56: {  	_ =	shalt  }
0x57: {  	_ =	shalt  }
0x58: {  	_ =	shalt  }
0x59: {  	_ =	shalt  }
0x5a: {  	_ =	shalt  }
0x5b: {  	_ =	shalt  }
0x5c: {  	_ =	shalt  }
0x5d: {  	_ =	shalt  }
0x5e: {  	_ =	shalt  }
0x5f: {  	_ =	shalt  }
0x60: {  	_ =	shalt  }
0x61: {  	_ =	shalt  }
0x62: {  	_ =	shalt  }
0x63: {  	_ =	shalt  }
0x64: {  	_ =	shalt  }
0x65: {  	_ =	shalt  }
0x66: {  	_ =	shalt  }
0x67: {  	_ =	shalt  }
0x68: {  	_ =	shalt  }
0x69: {  	_ =	shalt  }
0x6a: {  	_ =	shalt  }
0x6b: {  	_ =	shalt  }
0x6c: {  	_ =	shalt  }
0x6d: {  	_ =	shalt  }
0x6e: {  	_ =	shalt  }
0x6f: {  	_ =	shalt  }
0x70: {  	_ =	shalt  }
0x71: {  	_ =	shalt  }
0x72: {  	_ =	shalt  }
0x73: {  	_ =	shalt  }
0x74: {  	_ =	shalt  }
0x75: {  	_ =	shalt  }
0x76: {  	_ =	shalt  }
0x77: {  	_ =	shalt  }
0x78: {  	_ =	shalt  }
0x79: {  	_ =	shalt  }
0x7a: {  	_ =	shalt  }
0x7b: {  	_ =	shalt  }
0x7c: {  	_ =	shalt  }
0x7d: {  	_ =	shalt  }
0x7e: {  	_ =	shalt  }
0x7f: {  	_ =	shalt  }
0x80: {  	_ =	shalt  }
0x81: {  	_ =	shalt  }
0x82: {  	_ =	shalt  }
0x83: {  	_ =	shalt  }
0x84: {  	_ =	shalt  }
0x85: {  	_ =	shalt  }
0x86: {  	_ =	shalt  }
0x87: {  	_ =	shalt  }
.Lfunc_end0:
.L_simem_size_0:
called_computation.2_lowered:
.L_overlay_start_0:
0x88: {  	s2 =	sld [smem:$0x3FD9]  }
0x89: {  	s3 =	sld [smem:$0x3FFE];
	_ =	sdelay $0x1  }
0x8a: {  	s1 =	srdreg.scid  }
0x8b: {  	s0 =	sand.u32 $0x1, s1  }
0x8c: {  	s16 =	sshll.u32 s0, $0xA;
	s2 =	sadd.s32 s3, s2  }
0x8d: {  	s2 =	sadd.s32 s2, s16  }
0x8e: {  	[smem:$0x3FBB] =	sst s2  }
0x8f: {  	_ = 	snop  }
0x90: {  	(tm) =	ssettm $0x1  }
0x91: {  	s17 =	sld [smem:$0x3FFB];
	_ =	sdelay $0x3  }
0x92: {  	_ =	strace s17  }
0x93: {  	s2 =	sld [smem:$0x3FFC];
	_ =	sdelay $0x3  }
0x94: {  	_ =	strace s2  }
0x95: {  	s2 =	sld [smem:$0x3FFD];
	_ =	sdelay $0x3  }
0x96: {  	_ =	strace s2  }
0x97: {  	_ =	strace $0x8FFFFFFF  }
0x98: {  	s18 =	sld [smem:$0x3FDB];
	_ =	sdelay $0x1  }
0x99: {  	s19 =	simm.s32 $_scs_section_size  }
0x9a: {  	s4 =	simm.s32 $_size__tile_overlayer_lowered;
	s5 =	simm.s32 $_tile_overlayer_lowered  }
0x9b: {  	s22 =	simm.s32 $0x1BFF;
	s21 =	sshll.u32 s5, $0x1;
	s2 =	sadd.s32 s19, s18  }
0x9c: {  	s6 =	simm.s32 $0x0;
	s20 =	sshll.u32 s4, $0x1;
	s4 =	sadd.s32 s21, s2  }
0x9d: {  	[timem:s6], [sflag:s22] =	dma.local [hbm:s4], s20  }
0x9e: {  	_ =	swait.ge [sflag:s22], s20  }
0x9f: {  	s3 =	ssub.s32 $0x0, s20;
	[sflag:s22] =	ssyncset.done $0x0  }
0xa0: {  	[sflag:s22] =	ssyncadd.s32 s3;
	_ =	sdelay $0x1  }
0xa1: {  	s23 =	simm.s32 $0x1B8B  }
0xa2: {  	_ =	swait.ge [sflag:s23], $0x1  }
0xa3: {  	[sflag:s23] =	ssyncset.done $0x0  }
0xa4: {  	s25 =	simm.s32 $0x1B8E;
	s24 =	sld [smem:$0x3FFE];
	[sflag:s23] =	ssyncadd.s32 $0xFFFFFFFF  }
0xa5: {  	s26 =	simm.s32 $execute0_lowered;
	[smem:$0x3FD2] =	sst s25  }
0xa6: {  	s4 =	sshll.u32 s26, $0x1;
	_ =	strace $0x8000004C;
	[dreg:$0x1] =	wrdreg $0xFFFFFFFF  }
0xa7: {  	s28 =	simm.s32 $_size_execute0_lowered;
	s2 =	sadd.s32 s2, s4;
	[dreg:$0x0] =	wrdreg $0x0  }
0xa8: {  	s4 =	sshll.u32 s28, $0x1;
	[dreg:$0x2] =	wrdreg s2  }
0xa9: {  	[dreg:$0x3] =	wrdreg s4  }
0xaa: {  	[dreg:$0x4] =	wrdreg $0xC0  }
0xab: {  	_ =	task [dreg:s6], $0x5FFFF  }
0xac: {  	[dreg:$0x1] =	wrdreg $0xFFFFFFFF  }
0xad: {  	[dreg:$0x0] =	wrdreg $0x60  }
0xae: {  	[dreg:$0x2] =	wrdreg s24  }
0xaf: {  	[dreg:$0x3] =	wrdreg $0x130000  }
0xb0: {  	[dreg:$0x4] =	wrdreg $0x90000  }
0xb1: {  	[dreg:$0x5] =	wrdreg $0x9  }
0xb2: {  	_ =	task.clear_ibuf [dreg:s6], $0x6FFFF;
	_ =	strace $0x9000004C  }
0xb3: {  	s29 =	simm.s32 $0x9;
	_ =	strace $0x8000004E  }
0xb4: {  	_ =	swait.ge [sflag:s29], $0x1  }
0xb5: {  	[sflag:s29] =	ssyncadd.s32 $0xFFFFFFFF  }
0xb6: {  	_ =	strace $0x9000004E  }
0xb7: {  	_ =	sfence  }
0xb8: {  	s30 =	sld [smem:$0x0];
	_ =	sdelay $0x2  }
0xb9: {  	s31 =	sshll.u32 s1, $0xD;
	s1 =	sshrl.u32 s1, $0x2  }
0xba: {  	s3 =	sand.u32 $0x4000, s31;
	s1 =	sadd.s32 s1, s30  }
0xbb: {  	s0 =	sor.u32 s3, s0;
	s1 =	sshll.u32 s1, $0x11  }
0xbc: {  	s0 =	sor.u32 s1, s0  }
0xbd: {  	s0 =	sadd.s32 $0x8F2B, s0  }
0xbe: {  	[sflag:s0] =	ssyncadd.remote.s32 $0x1  }
0xbf: {  	_ =	sfence.sel $0xFFFF  }
0xc0: {  	[dreg:$0x0] =	wrdreg $0xFFFFFFFF;
	(pc) =	sbr.abs _section_cstart, $3  }
0xc1: {  	[dreg:$0x1] =	wrdreg $0xFFFFFFFF  }
0xc2: {  	_ =	task.clear_ibuf [dreg:s6], $0x2FFFF;
	_ =	strace $0x9FFFFFFF  }
0xc3: {  	(tm) =	ssettm $0x7FFFFFFF  }
tec
execute0_lowered:
.L_overlay_start_1:
0x0: {  	(tag) =	ssettag $0x1  }
0x1: {  	s1 =	srdreg.scid;
	s5 =	rddreg [dreg:$0x0]  }
0x2: {  	s0 =	stileid.u32;
	s2 =	rddreg [dreg:$0x1]  }
0x3: {  	s3 =	rddreg [dreg:$0x2];
	s4 =	simm.s32 $0x0;
	s12 =	simm.s32 $0x2800  }
0x4: {  	s16 =	simm.s32 $0x80;
	s17 =	simm.s32 $0x5000;
	s18 =	simm.s32 $0x1  }
0x5: {  	s19 =	simm.s32 $0x7000;
	s20 =	simm.s32 $0x2780;
	s21 =	simm.s32 $0x4F00  }
0x6: {  	s22 =	simm.s32 $0x4F80;
	s23 =	simm.s32 $0x0;
	s6 =	sand.u32 $0x1, s1  }
0x7: {  	s31 =	sshll.u32 s0, $0x1;
	s8 =	smul.u32 $0xA000, s0;
	[smem:$0x7FF] =	sst s4  }
0x8: {  	s13 =	sshll.u32 s0, $0x6;
	s1 =	sor.u32 s6, s31;
	s9 =	smul.u32 $0xA0000, s6  }
0x9: {  	s6 =	ssub.s32 $0x2, s6;
	s13 =	sor.u32 $0x1C02, s13;
	s7 =	smul.u32 $0x500, s1  }
0xa: {  	s1 =	rddreg [dreg:$0x3];
	_ =	strace $0x8000004D;
	s10 =	sshrl.u32 s8, $0x3  }
0xb: {  	s11 =	sshrl.u32 s6, $0x1;
	s14 =	sadd.s32 s8, s2;
	s15 =	sadd.s32 s8, s3  }
0xc: {  	s9 =	sadd.s32 s8, s9;
	s10 =	sadd.s32 s10, s5;
	s11 =	ssub.s32 s6, s11  }
0xd: {  	s14 =	sshrl.u32 s14, $0x3;
	s15 =	sshrl.u32 s15, $0x3;
	s9 =	sshrl.u32 s9, $0x3  }
0xe: {  	s7 =	sadd.s32 s7, s5;
	s8 =	sadd.s32 $0x39800, s10;
	s9 =	sadd.s32 s9, s5  }
0xf: {  	s5 =	sadd.s32 $0x1B800, s7;
	s6 =	sadd.s32 $0x2800, s7;
	s7 =	sadd.s32 $0x25800, s10  }
0x10: {  	s10 =	smax.u32 s11, $0x1;
	s11 =	simm.s32 $0x2;
	s9 =	sadd.s32 $0x4D800, s9  }
.LBB2_1:
0x11: {  	[tilespmem:s4], [sflag:$0x2] =	stream.linear.gather [hbm4b:s5+s4], $0x2800, $0x38;
	[tilespmem:$0x1D000] =	vst v63  }
0x12: {  	_ =	swait.ge [sflag:s11], $0x2800  }
0x13: {  	[sflag:s11] =	ssyncset.done $0x0  }
0x14: {  	[sflag:s11] =	ssyncadd.s32 $0xFFFFD800  }
0x15: {  	[tilespmem:s12], [sflag:$0x2] =	stream.linear.gather [hbm4b:s6+s4], $0x2800, $0x38;
	[tilespmem:$0x1D000] =	vst v63  }
0x16: {  	_ =	swait.ge [sflag:s11], $0x2800  }
0x17: {  	[sflag:s11] =	ssyncset.done $0x0  }
0x18: {  	[sflag:s11] =	ssyncadd.s32 $0xFFFFD800  }
0x19: {  	[spmem:s14], [sflag:s13] =	dma.local [hbm:s7], $0x1400  }
0x1a: {  	_ =	swait.ge [sflag:s11], $0x1400  }
0x1b: {  	[sflag:s11] =	ssyncset.done $0x0  }
0x1c: {  	[sflag:s11] =	ssyncadd.s32 $0xFFFFEC00  }
0x1d: {  	[spmem:s15], [sflag:s13] =	dma.local [hbm:s8], $0x1400  }
0x1e: {  	_ =	swait.ge [sflag:s11], $0x1400  }
0x1f: {  	[sflag:s11] =	ssyncset.done $0x0  }
0x20: {  	[sflag:s11] =	ssyncadd.s32 $0xFFFFEC00  }
0x21: {  	[bflag:$0x0] =	sbarrier.arrive $0xFFFF  }
0x22: {  	[tilespmem:s17], [sflag:$0x1] =	stream.indirect.gather [spmem:s2], $0x40, s4, s16, $0xb8;
	[tilespmem:$0x1D000] =	vst v63  }
0x23: {  	_ =	swait.ge [sflag:s18], $0x2000  }
0x24: {  	[sflag:s18] =	ssyncset.done $0x0  }
0x25: {  	s24 =	simm.s32 $0x80;
	[sflag:s18] =	ssyncadd.s32 $0xFFFFE000  }
0x26: {  	[tilespmem:s19], [sflag:$0x1] =	stream.indirect.gather [spmem:s2], $0x40, s24, s16, $0xb8;
	[tilespmem:$0x1D000] =	vst v63  }
0x27: {  	s29 =	simm.s32 $0x2800  }
0x28: {  	[spmem:s3] =	stream.indirect.scatter.add.f32 [tilespmem:s17], [sflag:$0x2], $0x40, s29, s16, $0xb8;
	[tilespmem:$0x1D000] =	vst v63  }
0x29: {  	_ =	swait.ge [sflag:s11], $0x2000  }
0x2a: {  	[sflag:s11] =	ssyncset.done $0x0  }
0x2b: {  	[sflag:s11] =	ssyncadd.s32 $0xFFFFE000  }
0x2c: {  	_ =	swait.ge [sflag:s18], $0x2000  }
0x2d: {  	[sflag:s18] =	ssyncset.done $0x0  }
0x2e: {  	s30 =	simm.s32 $0x100;
	[sflag:s18] =	ssyncadd.s32 $0xFFFFE000  }
0x2f: {  	[tilespmem:s17], [sflag:$0x1] =	stream.indirect.gather [spmem:s2], $0x40, s30, s16, $0xb8;
	[tilespmem:$0x1D000] =	vst v63  }
0x30: {  	s31 =	simm.s32 $0x2880  }
0x31: {  	[spmem:s3] =	stream.indirect.scatter.add.f32 [tilespmem:s19], [sflag:$0x2], $0x40, s31, s16, $0xb8;
	[tilespmem:$0x1D000] =	vst v63  }
0x32: {  	_ =	swait.ge [sflag:s11], $0x2000  }
0x33: {  	s24 =	simm.s32 $0x400;
	[sflag:s11] =	ssyncset.done $0x0  }
.LBB2_2:
0x34: {  	p0 =	sne.s32 s24, $0x9800  }
0x35: {  	[sflag:s11] =	ssyncadd.s32 $0xFFFFE000;
	s25 =	smov.u32 s24;
	s24 =	sadd.s32 $0x400, s24  }
0x36: {  	_ = 	snop  }
0x37: {  	_ =	swait.ge [sflag:s18], $0x2000  }
0x38: {  	s25 =	sshra.s32 s25, $0x2;
	[sflag:s18] =	ssyncset.done $0x0  }
0x39: {  	s26 =	sadd.s32 $0x80, s25;
	[sflag:s18] =	ssyncadd.s32 $0xFFFFE000  }
0x3a: {  	[tilespmem:s19], [sflag:$0x1] =	stream.indirect.gather [spmem:s2], $0x40, s26, s16, $0xb8;
	[tilespmem:$0x1D000] =	vst v63  }
0x3b: {  	s26 =	sadd.s32 $0x2800, s25  }
0x3c: {  	[spmem:s3] =	stream.indirect.scatter.add.f32 [tilespmem:s17], [sflag:$0x2], $0x40, s26, s16, $0xb8;
	[tilespmem:$0x1D000] =	vst v63  }
0x3d: {  	_ =	swait.ge [sflag:s11], $0x2000  }
0x3e: {  	[sflag:s11] =	ssyncset.done $0x0  }
0x3f: {  	[sflag:s11] =	ssyncadd.s32 $0xFFFFE000  }
0x40: {  	_ =	swait.ge [sflag:s18], $0x2000  }
0x41: {  	[sflag:s18] =	ssyncset.done $0x0  }
0x42: {  	s26 =	sadd.s32 $0x100, s25;
	[sflag:s18] =	ssyncadd.s32 $0xFFFFE000  }
0x43: {  	[tilespmem:s17], [sflag:$0x1] =	stream.indirect.gather [spmem:s2], $0x40, s26, s16, $0xb8;
	[tilespmem:$0x1D000] =	vst v63  }
.Ltmp0:
0x44: {  	_ = 	snop;
	(pc) =	sbr.rel @p0 .LBB2_2-.Ltmp0, $4  }
0x45: {  	s25 =	sadd.s32 $0x2880, s25  }
0x46: {  	[spmem:s3] =	stream.indirect.scatter.add.f32 [tilespmem:s19], [sflag:$0x2], $0x40, s25, s16, $0xb8;
	[tilespmem:$0x1D000] =	vst v63  }
0x47: {  	_ =	swait.ge [sflag:s11], $0x2000  }
0x48: {  	[sflag:s11] =	ssyncset.done $0x0  }
0x49: {  	[sflag:s11] =	ssyncadd.s32 $0xFFFFE000  }
0x4a: {  	_ =	swait.ge [sflag:s18], $0x2000  }
0x4b: {  	[sflag:s18] =	ssyncset.done $0x0  }
0x4c: {  	[sflag:s18] =	ssyncadd.s32 $0xFFFFE000  }
0x4d: {  	[tilespmem:s19], [sflag:$0x1] =	stream.indirect.gather [spmem:s2], $0x40, s20, s16, $0xb8;
	[tilespmem:$0x1D000] =	vst v63  }
0x4e: {  	_ = 	snop  }
0x4f: {  	[spmem:s3] =	stream.indirect.scatter.add.f32 [tilespmem:s17], [sflag:$0x2], $0x40, s21, s16, $0xb8;
	[tilespmem:$0x1D000] =	vst v63  }
0x50: {  	_ =	swait.ge [sflag:s11], $0x2000  }
0x51: {  	[sflag:s11] =	ssyncset.done $0x0  }
0x52: {  	[sflag:s11] =	ssyncadd.s32 $0xFFFFE000  }
0x53: {  	_ =	swait.ge [sflag:s18], $0x2000  }
0x54: {  	[sflag:s18] =	ssyncset.done $0x0  }
0x55: {  	[sflag:s18] =	ssyncadd.s32 $0xFFFFE000  }
0x56: {  	[spmem:s3] =	stream.indirect.scatter.add.f32 [tilespmem:s19], [sflag:$0x2], $0x40, s22, s16, $0xb8;
	[tilespmem:$0x1D000] =	vst v63  }
0x57: {  	_ =	swait.ge [sflag:s11], $0x2000  }
0x58: {  	s23 =	sadd.s32 $0x1, s23;
	[sflag:s11] =	ssyncset.done $0x0  }
0x59: {  	p0 =	sne.s32 s23, s10;
	[sflag:s11] =	ssyncadd.s32 $0xFFFFE000  }
.Ltmp1:
0x5a: {  	[bflag:$0x0] =	sbarrier.arrive $0xFFFF;
	(pc) =	sbr.rel @p0 .LBB2_1-.Ltmp1, $4  }
0x5b: {  	[hbm:s9], [sflag:s13] =	dma.local [spmem:s15], $0x1400  }
0x5c: {  	_ =	swait.ge [sflag:s11], $0x1400  }
0x5d: {  	[sflag:s11] =	ssyncset.done $0x0  }
0x5e: {  	[sflag:s11] =	ssyncadd.s32 $0xFFFFEC00  }
0x5f: {  	_ =	sfence.sel $0x180000  }
0x60: {  	[bflag:$0x0] =	sbarrier.arrive $0xFFFF  }
0x61: {  	p0 =	sne.s32 s0, $0x0;
	_ =	strace $0x9000004D  }
0x62: {  	s0 =	sadd.s32 @!p0 $0x100000, s1;
	[bflag:$0x2] =	sbarrier.arrive $0xFFFF  }
0x63: {  	[sflag:s0] =	ssyncadd.tile.s32 @!p0 $0x1;
	_ =	shalt  }
.Lfunc_end2:
_tile_overlayer_lowered:
.L_overlay_start_2:
0x64: {  	(tag) =	ssettag $0x2  }
0x65: {  	s0 =	rddreg [dreg:$0x0];
	s2 =	stileid.u32  }
0x66: {  	s1 =	rddreg [dreg:$0x1];
	p0 =	sne.s32 s2, $0x0  }
0x67: {  	s3 =	rddreg [dreg:$0x2];
	[bflag:$0x3] =	sbarrier.arrive $0xFFFF;
	s2 =	simm.s32 @!p0 $0x1C02  }
0x68: {  	[timem:s3], [sflag:s2] =	dma.local @!p0 [hbm:s0], s1  }
0x69: {  	s0 =	simm.s32 @!p0 $0x2  }
0x6a: {  	_ =	swait.ge @!p0 [sflag:s0], s1  }
0x6b: {  	s1 =	ssub.s32 @!p0 $0x0, s1;
	[sflag:s0] =	ssyncset.done @!p0 $0x0  }
0x6c: {  	[sflag:s0] =	ssyncadd.s32 @!p0 s1  }
0x6d: {  	[bflag:$0x3] =	sbarrier.arrive $0xFFFF  }
0x6e: {  	_ =	shalt  }

// kernel: kernel.19.cloned.1.call-start
scs
__scs_entry_jumppad:
0x0: {  	(pc) =	sbr.rel $0x88, $3  }
0x1: {  	(tag) =	ssettag $0x0;
	lr =	simm.s32 $0x1  }
0x2: {  	[smem:$0x3F94] =	sst lr;
	_ =	strace $0xD0000000  }
0x3: {  	_ = 	snop  }
0x4: {  	_ = 	snop  }
0x5: {  	_ = 	snop  }
0x6: {  	_ = 	snop  }
0x7: {  	_ = 	snop  }
__scs_overlays_trampoline_lowered:
0x8: {  	[smem:$0x3FA3] =	sst s0  }
0x9: {  	[smem:$0x3FA4] =	sst s1  }
0xa: {  	[smem:$0x3FA5] =	sst s2  }
0xb: {  	[smem:$0x3FA6] =	sst s3  }
0xc: {  	[smem:$0x3FA7] =	sst s4  }
0xd: {  	[smem:$0x3FA8] =	sst s5  }
0xe: {  	[smem:$0x3FA9] =	sst s6  }
0xf: {  	[smem:$0x3FAA] =	sst s7  }
0x10: {  	[smem:$0x3FAB] =	sst s8  }
0x11: {  	[smem:$0x3FAC] =	sst s9;
	s0 =	simm.s32 @!p0 $0x0  }
0x12: {  	s1 =	sld [smem:$0x3F92];
	s0 =	simm.s32 @p0 $0x1  }
0x13: {  	[smem:$0x3FAD] =	sst s0;
	s0 =	simm.s32 @!p1 $0x0  }
0x14: {  	s2 =	sld [smem:$0x3F91];
	s0 =	simm.s32 @p1 $0x1  }
0x15: {  	[smem:$0x3FAE] =	sst s0;
	s0 =	simm.s32 @!p2 $0x0  }
0x16: {  	s3 =	sld [smem:$0x3FDB];
	s0 =	simm.s32 @p2 $0x1  }
0x17: {  	s4 =	simm.s32 $0x1BF5;
	[smem:$0x3FB0] =	sst s0  }
0x18: {  	s0 =	sld [smem:$0x3F93];
	_ =	swait.ge [sflag:s4], $0x0  }
0x19: {  	s7 =	sld [smem:$0x3F94]  }
0x1a: {  	s8 =	sadd.s32 $0xFFFFE003, lr  }
0x1b: {  	s9 =	sadd.s32 $0xFFFFFEF7, lr;
	s5 =	simm.s32 $0xFFFFFFFF;
	p2 =	slt.u32 s8, $0xFFFFF086  }
0x1c: {  	p1 =	slt.u32 s9, $0xF7A;
	s5 =	simm.s32 @!p2 $0x0  }
0x1d: {  	s5 =	simm.s32 @p1 $0x1;
	p0 =	seq.s32 s7, s2  }
0x1e: {  	s7 =	smul.u32 @!p0 $0xF7A, s2;
	p2 =	seq.s32 @!p0 s5, $0x0  }
0x1f: {  	s9 =	smul.u32 $0xF7A, s1;
	s8 =	simm.s32 @!p0 $0x1BF5;
	p2 =	por !p2, p0  }
0x20: {  	[sflag:s8] =	ssyncset.s32 @!p0 $0xFFFFF086;
	s6 =	sadd.s32 @!p0 s3, s7;
	s7 =	simm.s32 @!p0 $0x108  }
0x21: {  	s3 =	sadd.s32 s3, s9;
	s6 =	sadd.s32 @!p0 $0x88, s6;
	s7 =	simm.s32 @p2 $0x1082  }
0x22: {  	[simem:s7], [sflag:s8] =	dma.local @!p0 [hbm:s6], $0xF7A  }
0x23: {  	s9 =	sor.u32 $0xD0000000, s2;
	s6 =	simm.s32 $0x108;
	_ =	swait.ge @!p0 [sflag:s8], $0x0  }
0x24: {  	s3 =	sadd.s32 $0x88, s3;
	s6 =	simm.s32 @!p1 $0x1082;
	[sflag:s4] =	ssyncset.s32 $0xFFFFF086  }
0x25: {  	[simem:s6], [sflag:s4] =	dma.local [hbm:s3], $0xF7A  }
0x26: {  	[smem:$0x3F94] =	sst s1;
	(tag) =	ssettag s2;
	_ =	strace s9  }
0x27: {  	s1 =	sld [smem:$0x3FA4]  }
0x28: {  	s2 =	sld [smem:$0x3FA5]  }
0x29: {  	s4 =	sld [smem:$0x3FA7]  }
0x2a: {  	p0 =	seq.s32 s5, $0x0;
	s5 =	sld [smem:$0x3FA8]  }
0x2b: {  	s6 =	sld [smem:$0x3FA9]  }
0x2c: {  	s7 =	sld [smem:$0x3FAA]  }
0x2d: {  	s3 =	simm.s32 $0x108;
	s8 =	sld [smem:$0x3FAB]  }
0x2e: {  	s3 =	simm.s32 @!p0 $0x1082;
	s9 =	sld [smem:$0x3FAC]  }
0x2f: {  	lr =	sadd.s32 s0, s3;
	s0 =	sld [smem:$0x3FA3]  }
0x30: {  	s3 =	sld [smem:$0x3FA6]  }
0x31: {  	[smem:$0x3FAF] =	sst s10  }
0x32: {  	s10 =	sld [smem:$0x3FAD];
	_ =	sdelay $0x3  }
0x33: {  	p0 =	seq.s32 s10, $0x1;
	s10 =	sld [smem:$0x3FAF];
	_ =	sdelay $0x3  }
0x34: {  	[smem:$0x3FAF] =	sst s10  }
0x35: {  	s10 =	sld [smem:$0x3FAE];
	_ =	sdelay $0x3  }
0x36: {  	p1 =	seq.s32 s10, $0x1;
	s10 =	sld [smem:$0x3FAF];
	_ =	sdelay $0x3  }
0x37: {  	[smem:$0x3FAF] =	sst s10  }
0x38: {  	s10 =	sld [smem:$0x3FB0]  }
0x39: {  	_ = 	snop;
	(pc) =	sbr.ind lr, $3  }
0x3a: {  	_ = 	snop  }
0x3b: {  	_ = 	snop  }
0x3c: {  	p2 =	seq.s32 s10, $0x1;
	s10 =	sld [smem:$0x3FAF]  }
0x3d: {  	_ =	shalt  }
0x3e: {  	_ =	shalt  }
0x3f: {  	_ =	shalt  }
0x40: {  	_ =	shalt  }
0x41: {  	_ =	shalt  }
0x42: {  	_ =	shalt  }
0x43: {  	_ =	shalt  }
0x44: {  	_ =	shalt  }
0x45: {  	_ =	shalt  }
0x46: {  	_ =	shalt  }
0x47: {  	_ =	shalt  }
0x48: {  	_ =	shalt  }
0x49: {  	_ =	shalt  }
0x4a: {  	_ =	shalt  }
0x4b: {  	_ =	shalt  }
0x4c: {  	_ =	shalt  }
0x4d: {  	_ =	shalt  }
0x4e: {  	_ =	shalt  }
0x4f: {  	_ =	shalt  }
0x50: {  	_ =	shalt  }
0x51: {  	_ =	shalt  }
0x52: {  	_ =	shalt  }
0x53: {  	_ =	shalt  }
0x54: {  	_ =	shalt  }
0x55: {  	_ =	shalt  }
0x56: {  	_ =	shalt  }
0x57: {  	_ =	shalt  }
0x58: {  	_ =	shalt  }
0x59: {  	_ =	shalt  }
0x5a: {  	_ =	shalt  }
0x5b: {  	_ =	shalt  }
0x5c: {  	_ =	shalt  }
0x5d: {  	_ =	shalt  }
0x5e: {  	_ =	shalt  }
0x5f: {  	_ =	shalt  }
0x60: {  	_ =	shalt  }
0x61: {  	_ =	shalt  }
0x62: {  	_ =	shalt  }
0x63: {  	_ =	shalt  }
0x64: {  	_ =	shalt  }
0x65: {  	_ =	shalt  }
0x66: {  	_ =	shalt  }
0x67: {  	_ =	shalt  }
0x68: {  	_ =	shalt  }
0x69: {  	_ =	shalt  }
0x6a: {  	_ =	shalt  }
0x6b: {  	_ =	shalt  }
0x6c: {  	_ =	shalt  }
0x6d: {  	_ =	shalt  }
0x6e: {  	_ =	shalt  }
0x6f: {  	_ =	shalt  }
0x70: {  	_ =	shalt  }
0x71: {  	_ =	shalt  }
0x72: {  	_ =	shalt  }
0x73: {  	_ =	shalt  }
0x74: {  	_ =	shalt  }
0x75: {  	_ =	shalt  }
0x76: {  	_ =	shalt  }
0x77: {  	_ =	shalt  }
0x78: {  	_ =	shalt  }
0x79: {  	_ =	shalt  }
0x7a: {  	_ =	shalt  }
0x7b: {  	_ =	shalt  }
0x7c: {  	_ =	shalt  }
0x7d: {  	_ =	shalt  }
0x7e: {  	_ =	shalt  }
0x7f: {  	_ =	shalt  }
0x80: {  	_ =	shalt  }
0x81: {  	_ =	shalt  }
0x82: {  	_ =	shalt  }
0x83: {  	_ =	shalt  }
0x84: {  	_ =	shalt  }
0x85: {  	_ =	shalt  }
0x86: {  	_ =	shalt  }
0x87: {  	_ =	shalt  }
.Lfunc_end0:
.L_simem_size_0:
called_computation.3_lowered:
.L_overlay_start_0:
0x88: {  	s2 =	sld [smem:$0x3FD9]  }
0x89: {  	s3 =	sld [smem:$0x3FFE];
	_ =	sdelay $0x1  }
0x8a: {  	s1 =	srdreg.scid  }
0x8b: {  	s0 =	sand.u32 $0x1, s1  }
0x8c: {  	s16 =	sshll.u32 s0, $0xA;
	s2 =	sadd.s32 s3, s2  }
0x8d: {  	s2 =	sadd.s32 s2, s16  }
0x8e: {  	[smem:$0x3FBB] =	sst s2  }
0x8f: {  	_ = 	snop  }
0x90: {  	(tm) =	ssettm $0x1  }
0x91: {  	s17 =	sld [smem:$0x3FFB];
	_ =	sdelay $0x3  }
0x92: {  	_ =	strace s17  }
0x93: {  	s2 =	sld [smem:$0x3FFC];
	_ =	sdelay $0x3  }
0x94: {  	_ =	strace s2  }
0x95: {  	s2 =	sld [smem:$0x3FFD];
	_ =	sdelay $0x3  }
0x96: {  	_ =	strace s2  }
0x97: {  	_ =	strace $0x8FFFFFFF  }
0x98: {  	s18 =	sld [smem:$0x3FDB];
	_ =	sdelay $0x1  }
0x99: {  	s19 =	simm.s32 $_scs_section_size  }
0x9a: {  	s4 =	simm.s32 $_size__tile_overlayer_lowered;
	s5 =	simm.s32 $_tile_overlayer_lowered  }
0x9b: {  	s22 =	simm.s32 $0x1BFF;
	s21 =	sshll.u32 s5, $0x1;
	s2 =	sadd.s32 s19, s18  }
0x9c: {  	s6 =	simm.s32 $0x0;
	s20 =	sshll.u32 s4, $0x1;
	s4 =	sadd.s32 s21, s2  }
0x9d: {  	[timem:s6], [sflag:s22] =	dma.local [hbm:s4], s20  }
0x9e: {  	_ =	swait.ge [sflag:s22], s20  }
0x9f: {  	s3 =	ssub.s32 $0x0, s20;
	[sflag:s22] =	ssyncset.done $0x0  }
0xa0: {  	[sflag:s22] =	ssyncadd.s32 s3;
	_ =	sdelay $0x1  }
0xa1: {  	s23 =	simm.s32 $0x1B8B  }
0xa2: {  	_ =	swait.ge [sflag:s23], $0x1  }
0xa3: {  	[sflag:s23] =	ssyncset.done $0x0  }
0xa4: {  	s25 =	simm.s32 $0x1B8E;
	s24 =	sld [smem:$0x3FFE];
	[sflag:s23] =	ssyncadd.s32 $0xFFFFFFFF  }
0xa5: {  	s26 =	simm.s32 $execute0_lowered;
	[smem:$0x3FD2] =	sst s25  }
0xa6: {  	s4 =	sshll.u32 s26, $0x1;
	_ =	strace $0x8000004F;
	[dreg:$0x1] =	wrdreg $0xFFFFFFFF  }
0xa7: {  	s28 =	simm.s32 $_size_execute0_lowered;
	s2 =	sadd.s32 s2, s4;
	[dreg:$0x0] =	wrdreg $0x0  }
0xa8: {  	s4 =	sshll.u32 s28, $0x1;
	[dreg:$0x2] =	wrdreg s2  }
0xa9: {  	[dreg:$0x3] =	wrdreg s4  }
0xaa: {  	[dreg:$0x4] =	wrdreg $0xC0  }
0xab: {  	_ =	task [dreg:s6], $0x5FFFF  }
0xac: {  	[dreg:$0x1] =	wrdreg $0xFFFFFFFF  }
0xad: {  	[dreg:$0x0] =	wrdreg $0x60  }
0xae: {  	[dreg:$0x2] =	wrdreg s24  }
0xaf: {  	[dreg:$0x3] =	wrdreg $0xC0000  }
0xb0: {  	[dreg:$0x4] =	wrdreg $0x70000  }
0xb1: {  	[dreg:$0x5] =	wrdreg $0x9  }
0xb2: {  	_ =	task.clear_ibuf [dreg:s6], $0x6FFFF;
	_ =	strace $0x9000004F  }
0xb3: {  	s29 =	simm.s32 $0x9;
	_ =	strace $0x80000051  }
0xb4: {  	_ =	swait.ge [sflag:s29], $0x1  }
0xb5: {  	[sflag:s29] =	ssyncadd.s32 $0xFFFFFFFF  }
0xb6: {  	_ =	strace $0x90000051  }
0xb7: {  	_ =	sfence  }
0xb8: {  	s30 =	sld [smem:$0x0];
	_ =	sdelay $0x2  }
0xb9: {  	s31 =	sshll.u32 s1, $0xD;
	s1 =	sshrl.u32 s1, $0x2  }
0xba: {  	s3 =	sand.u32 $0x4000, s31;
	s1 =	sadd.s32 s1, s30  }
0xbb: {  	s0 =	sor.u32 s3, s0;
	s1 =	sshll.u32 s1, $0x11  }
0xbc: {  	s0 =	sor.u32 s1, s0  }
0xbd: {  	s0 =	sadd.s32 $0x8F2B, s0  }
0xbe: {  	[sflag:s0] =	ssyncadd.remote.s32 $0x1  }
0xbf: {  	_ =	sfence.sel $0xFFFF  }
0xc0: {  	[dreg:$0x0] =	wrdreg $0xFFFFFFFF;
	(pc) =	sbr.abs _section_cstart, $3  }
0xc1: {  	[dreg:$0x1] =	wrdreg $0xFFFFFFFF  }
0xc2: {  	_ =	task.clear_ibuf [dreg:s6], $0x2FFFF;
	_ =	strace $0x9FFFFFFF  }
0xc3: {  	(tm) =	ssettm $0x7FFFFFFF  }
tec
execute0_lowered:
.L_overlay_start_1:
0x0: {  	(tag) =	ssettag $0x1  }
0x1: {  	s1 =	srdreg.scid;
	s5 =	rddreg [dreg:$0x0]  }
0x2: {  	s0 =	stileid.u32;
	s2 =	rddreg [dreg:$0x1]  }
0x3: {  	s3 =	rddreg [dreg:$0x2];
	s4 =	simm.s32 $0x0;
	s12 =	simm.s32 $0x2800  }
0x4: {  	s16 =	simm.s32 $0x80;
	s17 =	simm.s32 $0x5000;
	s18 =	simm.s32 $0x1  }
0x5: {  	s19 =	simm.s32 $0x6000;
	s20 =	simm.s32 $0x2780;
	s21 =	simm.s32 $0x4F00  }
0x6: {  	s22 =	simm.s32 $0x4F80;
	s23 =	simm.s32 $0x0;
	s6 =	sand.u32 $0x1, s1  }
0x7: {  	s31 =	sshll.u32 s0, $0x1;
	s8 =	smul.u32 $0x5000, s0;
	[smem:$0x7FF] =	sst s4  }
0x8: {  	s13 =	sshll.u32 s0, $0x6;
	s1 =	sor.u32 s6, s31;
	s9 =	smul.u32 $0x50000, s6  }
0x9: {  	s6 =	ssub.s32 $0x2, s6;
	s13 =	sor.u32 $0x1C02, s13;
	s7 =	smul.u32 $0x500, s1  }
0xa: {  	s1 =	rddreg [dreg:$0x3];
	_ =	strace $0x80000050;
	s10 =	sshrl.u32 s8, $0x3  }
0xb: {  	s11 =	sshrl.u32 s6, $0x1;
	s14 =	sadd.s32 s8, s2;
	s15 =	sadd.s32 s8, s3  }
0xc: {  	s9 =	sadd.s32 s8, s9;
	s10 =	sadd.s32 s10, s5;
	s11 =	ssub.s32 s6, s11  }
0xd: {  	s14 =	sshrl.u32 s14, $0x3;
	s15 =	sshrl.u32 s15, $0x3;
	s9 =	sshrl.u32 s9, $0x3  }
0xe: {  	s7 =	sadd.s32 s7, s5;
	s8 =	sadd.s32 $0x25800, s10;
	s9 =	sadd.s32 s9, s5  }
0xf: {  	s5 =	sadd.s32 $0x1B800, s7;
	s6 =	sadd.s32 $0x2800, s7;
	s7 =	sadd.s32 $0xC800, s10  }
0x10: {  	s10 =	smax.u32 s11, $0x1;
	s11 =	simm.s32 $0x2;
	s9 =	sadd.s32 $0x2F800, s9  }
.LBB2_1:
0x11: {  	[tilespmem:s4], [sflag:$0x2] =	stream.linear.gather [hbm4b:s5+s4], $0x2800, $0x38;
	[tilespmem:$0x11000] =	vst v63  }
0x12: {  	_ =	swait.ge [sflag:s11], $0x2800  }
0x13: {  	[sflag:s11] =	ssyncset.done $0x0  }
0x14: {  	[sflag:s11] =	ssyncadd.s32 $0xFFFFD800  }
0x15: {  	[tilespmem:s12], [sflag:$0x2] =	stream.linear.gather [hbm4b:s6+s4], $0x2800, $0x38;
	[tilespmem:$0x11000] =	vst v63  }
0x16: {  	_ =	swait.ge [sflag:s11], $0x2800  }
0x17: {  	[sflag:s11] =	ssyncset.done $0x0  }
0x18: {  	[sflag:s11] =	ssyncadd.s32 $0xFFFFD800  }
0x19: {  	[spmem:s14], [sflag:s13] =	dma.local [hbm:s7], $0xA00  }
0x1a: {  	_ =	swait.ge [sflag:s11], $0xA00  }
0x1b: {  	[sflag:s11] =	ssyncset.done $0x0  }
0x1c: {  	[sflag:s11] =	ssyncadd.s32 $0xFFFFF600  }
0x1d: {  	[spmem:s15], [sflag:s13] =	dma.local [hbm:s8], $0xA00  }
0x1e: {  	_ =	swait.ge [sflag:s11], $0xA00  }
0x1f: {  	[sflag:s11] =	ssyncset.done $0x0  }
0x20: {  	[sflag:s11] =	ssyncadd.s32 $0xFFFFF600  }
0x21: {  	[bflag:$0x0] =	sbarrier.arrive $0xFFFF  }
0x22: {  	[tilespmem:s17], [sflag:$0x1] =	stream.indirect.gather [spmem:s2], $0x20, s4, s16, $0xb8;
	[tilespmem:$0x11000] =	vst v63  }
0x23: {  	_ =	swait.ge [sflag:s18], $0x1000  }
0x24: {  	[sflag:s18] =	ssyncset.done $0x0  }
0x25: {  	s24 =	simm.s32 $0x80;
	[sflag:s18] =	ssyncadd.s32 $0xFFFFF000  }
0x26: {  	[tilespmem:s19], [sflag:$0x1] =	stream.indirect.gather [spmem:s2], $0x20, s24, s16, $0xb8;
	[tilespmem:$0x11000] =	vst v63  }
0x27: {  	s29 =	simm.s32 $0x2800  }
0x28: {  	[spmem:s3] =	stream.indirect.scatter.add.f32 [tilespmem:s17], [sflag:$0x2], $0x20, s29, s16, $0xb8;
	[tilespmem:$0x11000] =	vst v63  }
0x29: {  	_ =	swait.ge [sflag:s11], $0x1000  }
0x2a: {  	[sflag:s11] =	ssyncset.done $0x0  }
0x2b: {  	[sflag:s11] =	ssyncadd.s32 $0xFFFFF000  }
0x2c: {  	_ =	swait.ge [sflag:s18], $0x1000  }
0x2d: {  	[sflag:s18] =	ssyncset.done $0x0  }
0x2e: {  	s30 =	simm.s32 $0x100;
	[sflag:s18] =	ssyncadd.s32 $0xFFFFF000  }
0x2f: {  	[tilespmem:s17], [sflag:$0x1] =	stream.indirect.gather [spmem:s2], $0x20, s30, s16, $0xb8;
	[tilespmem:$0x11000] =	vst v63  }
0x30: {  	s31 =	simm.s32 $0x2880  }
0x31: {  	[spmem:s3] =	stream.indirect.scatter.add.f32 [tilespmem:s19], [sflag:$0x2], $0x20, s31, s16, $0xb8;
	[tilespmem:$0x11000] =	vst v63  }
0x32: {  	_ =	swait.ge [sflag:s11], $0x1000  }
0x33: {  	s24 =	simm.s32 $0x400;
	[sflag:s11] =	ssyncset.done $0x0  }
.LBB2_2:
0x34: {  	p0 =	sne.s32 s24, $0x9800  }
0x35: {  	[sflag:s11] =	ssyncadd.s32 $0xFFFFF000;
	s25 =	smov.u32 s24;
	s24 =	sadd.s32 $0x400, s24  }
0x36: {  	_ = 	snop  }
0x37: {  	_ =	swait.ge [sflag:s18], $0x1000  }
0x38: {  	s25 =	sshra.s32 s25, $0x2;
	[sflag:s18] =	ssyncset.done $0x0  }
0x39: {  	s26 =	sadd.s32 $0x80, s25;
	[sflag:s18] =	ssyncadd.s32 $0xFFFFF000  }
0x3a: {  	[tilespmem:s19], [sflag:$0x1] =	stream.indirect.gather [spmem:s2], $0x20, s26, s16, $0xb8;
	[tilespmem:$0x11000] =	vst v63  }
0x3b: {  	s26 =	sadd.s32 $0x2800, s25  }
0x3c: {  	[spmem:s3] =	stream.indirect.scatter.add.f32 [tilespmem:s17], [sflag:$0x2], $0x20, s26, s16, $0xb8;
	[tilespmem:$0x11000] =	vst v63  }
0x3d: {  	_ =	swait.ge [sflag:s11], $0x1000  }
0x3e: {  	[sflag:s11] =	ssyncset.done $0x0  }
0x3f: {  	[sflag:s11] =	ssyncadd.s32 $0xFFFFF000  }
0x40: {  	_ =	swait.ge [sflag:s18], $0x1000  }
0x41: {  	[sflag:s18] =	ssyncset.done $0x0  }
0x42: {  	s26 =	sadd.s32 $0x100, s25;
	[sflag:s18] =	ssyncadd.s32 $0xFFFFF000  }
0x43: {  	[tilespmem:s17], [sflag:$0x1] =	stream.indirect.gather [spmem:s2], $0x20, s26, s16, $0xb8;
	[tilespmem:$0x11000] =	vst v63  }
.Ltmp0:
0x44: {  	_ = 	snop;
	(pc) =	sbr.rel @p0 .LBB2_2-.Ltmp0, $4  }
0x45: {  	s25 =	sadd.s32 $0x2880, s25  }
0x46: {  	[spmem:s3] =	stream.indirect.scatter.add.f32 [tilespmem:s19], [sflag:$0x2], $0x20, s25, s16, $0xb8;
	[tilespmem:$0x11000] =	vst v63  }
0x47: {  	_ =	swait.ge [sflag:s11], $0x1000  }
0x48: {  	[sflag:s11] =	ssyncset.done $0x0  }
0x49: {  	[sflag:s11] =	ssyncadd.s32 $0xFFFFF000  }
0x4a: {  	_ =	swait.ge [sflag:s18], $0x1000  }
0x4b: {  	[sflag:s18] =	ssyncset.done $0x0  }
0x4c: {  	[sflag:s18] =	ssyncadd.s32 $0xFFFFF000  }
0x4d: {  	[tilespmem:s19], [sflag:$0x1] =	stream.indirect.gather [spmem:s2], $0x20, s20, s16, $0xb8;
	[tilespmem:$0x11000] =	vst v63  }
0x4e: {  	_ = 	snop  }
0x4f: {  	[spmem:s3] =	stream.indirect.scatter.add.f32 [tilespmem:s17], [sflag:$0x2], $0x20, s21, s16, $0xb8;
	[tilespmem:$0x11000] =	vst v63  }
0x50: {  	_ =	swait.ge [sflag:s11], $0x1000  }
0x51: {  	[sflag:s11] =	ssyncset.done $0x0  }
0x52: {  	[sflag:s11] =	ssyncadd.s32 $0xFFFFF000  }
0x53: {  	_ =	swait.ge [sflag:s18], $0x1000  }
0x54: {  	[sflag:s18] =	ssyncset.done $0x0  }
0x55: {  	[sflag:s18] =	ssyncadd.s32 $0xFFFFF000  }
0x56: {  	[spmem:s3] =	stream.indirect.scatter.add.f32 [tilespmem:s19], [sflag:$0x2], $0x20, s22, s16, $0xb8;
	[tilespmem:$0x11000] =	vst v63  }
0x57: {  	_ =	swait.ge [sflag:s11], $0x1000  }
0x58: {  	s23 =	sadd.s32 $0x1, s23;
	[sflag:s11] =	ssyncset.done $0x0  }
0x59: {  	p0 =	sne.s32 s23, s10;
	[sflag:s11] =	ssyncadd.s32 $0xFFFFF000  }
.Ltmp1:
0x5a: {  	[bflag:$0x0] =	sbarrier.arrive $0xFFFF;
	(pc) =	sbr.rel @p0 .LBB2_1-.Ltmp1, $4  }
0x5b: {  	[hbm:s9], [sflag:s13] =	dma.local [spmem:s15], $0xA00  }
0x5c: {  	_ =	swait.ge [sflag:s11], $0xA00  }
0x5d: {  	[sflag:s11] =	ssyncset.done $0x0  }
0x5e: {  	[sflag:s11] =	ssyncadd.s32 $0xFFFFF600  }
0x5f: {  	_ =	sfence.sel $0x180000  }
0x60: {  	[bflag:$0x0] =	sbarrier.arrive $0xFFFF  }
0x61: {  	p0 =	sne.s32 s0, $0x0;
	_ =	strace $0x90000050  }
0x62: {  	s0 =	sadd.s32 @!p0 $0x100000, s1;
	[bflag:$0x2] =	sbarrier.arrive $0xFFFF  }
0x63: {  	[sflag:s0] =	ssyncadd.tile.s32 @!p0 $0x1;
	_ =	shalt  }
.Lfunc_end2:
_tile_overlayer_lowered:
.L_overlay_start_2:
0x64: {  	(tag) =	ssettag $0x2  }
0x65: {  	s0 =	rddreg [dreg:$0x0];
	s2 =	stileid.u32  }
0x66: {  	s1 =	rddreg [dreg:$0x1];
	p0 =	sne.s32 s2, $0x0  }
0x67: {  	s3 =	rddreg [dreg:$0x2];
	[bflag:$0x3] =	sbarrier.arrive $0xFFFF;
	s2 =	simm.s32 @!p0 $0x1C02  }
0x68: {  	[timem:s3], [sflag:s2] =	dma.local @!p0 [hbm:s0], s1  }
0x69: {  	s0 =	simm.s32 @!p0 $0x2  }
0x6a: {  	_ =	swait.ge @!p0 [sflag:s0], s1  }
0x6b: {  	s1 =	ssub.s32 @!p0 $0x0, s1;
	[sflag:s0] =	ssyncset.done @!p0 $0x0  }
0x6c: {  	[sflag:s0] =	ssyncadd.s32 @!p0 s1  }
0x6d: {  	[bflag:$0x3] =	sbarrier.arrive $0xFFFF  }
0x6e: {  	_ =	shalt  }

</sc_bundles>
